<compile_context>
chip_gen: v7x
topology: tpu7x:2x2x1
jax: 0.10.2.dev20260603
libtpu: 0.0.44.dev20260713+nightly
codegen_flags: <defaults>
</compile_context>

<pallas_src>
import functools

import jax
import jax.numpy as jnp
from jax import lax
from jax.experimental import pallas as pl
from jax.experimental.pallas import tpu as pltpu
from jax.experimental.pallas import tpu_sc as plsc

_N = 10000
_E = 320000
_RANK = 32
_OUT = 64
_PW = _RANK
_LOG_CLAMP = -30.0
_FIX = 1024.0

_NC = 2
_NS = 16
_NW = _NC * _NS
_EPW = _E // _NW
_NB = _N // 16
_CH = 128
_NCH = 80
_EPWP = _NCH * _CH
_NP = 10240
_RPS = _NP // _NS


def _mesh():
    return plsc.VectorSubcoreMesh(
        core_axis_name="c", subcore_axis_name="s",
        num_cores=_NC, num_subcores=_NS)


@functools.partial(
    pl.kernel,
    out_type=(jax.ShapeDtypeStruct((_NW, _N), jnp.float32),
              jax.ShapeDtypeStruct((_NW, _N), jnp.float32)),
    mesh=_mesh(),
    scratch_types=[pltpu.VMEM((_EPW,), jnp.int32),
                   pltpu.VMEM((_EPW,), jnp.int32),
                   pltpu.VMEM((_N,), jnp.float32),
                   pltpu.VMEM((_N,), jnp.float32)],
    compiler_params=pltpu.CompilerParams(needs_layout_passes=False),
)
def _deg_kernel(src_hbm, dst_hbm, zero_hbm, os_hbm, od_hbm, srcv, dstv, hs, hd):
    cid = lax.axis_index("c")
    sid = lax.axis_index("s")
    w = sid * _NC + cid
    base = w * _EPW
    pltpu.sync_copy(src_hbm.at[pl.ds(base, _EPW)], srcv)
    pltpu.sync_copy(dst_hbm.at[pl.ds(base, _EPW)], dstv)
    pltpu.sync_copy(zero_hbm, hs)
    pltpu.sync_copy(zero_hbm, hd)
    ones = jnp.ones((16,), jnp.float32)

    def body(t, carry):
        base16 = t * 80
        for u in range(5):
            s = srcv[pl.ds((base16 + u * 16), 16)]
            d = dstv[pl.ds((base16 + u * 16), 16)]
            plsc.addupdate_scatter(hs, [s], ones)
            plsc.addupdate_scatter(hd, [d], ones)
        return carry

    lax.fori_loop(0, _EPW // 80, body, 0)
    pltpu.sync_copy(hs, os_hbm.at[w])
    pltpu.sync_copy(hd, od_hbm.at[w])


@functools.partial(
    pl.kernel,
    out_type=jax.ShapeDtypeStruct((_NC, _NP, _PW), jnp.int32),
    mesh=_mesh(),
    scratch_types=[pltpu.VMEM((_NCH, _CH), jnp.int32),
                   pltpu.VMEM((_NCH, _CH), jnp.int32),
                   pltpu.VMEM((_CH, _PW), jnp.int32),
                   pltpu.VMEM((_CH, _PW), jnp.int32),
                   pltpu.VMEM_SHARED((_NP, _PW), jnp.int32),
                   pltpu.VMEM_SHARED((_N, _PW), jnp.int32),
                   pltpu.SemaphoreType.DMA,
                   pltpu.SemaphoreType.DMA],
    compiler_params=pltpu.CompilerParams(use_tc_tiling_on_sc=False),
)
def _agg_kernel(p_hbm, src_hbm, dst_hbm, zero_hbm, out_hbm,
                srcv, dstv, rows0, rows1, acc, p_s, sem0, sem1):
    cid = lax.axis_index("c")
    sid = lax.axis_index("s")
    w = sid * _NC + cid
    pltpu.sync_copy(src_hbm.at[w], srcv)
    pltpu.sync_copy(dst_hbm.at[w], dstv)
    pltpu.sync_copy(zero_hbm, acc.at[pl.ds(sid * _RPS, _RPS)])
    pltpu.sync_copy(p_hbm.at[pl.ds(sid * 624, 640)],
                    p_s.at[pl.ds(sid * 624, 640)])
    plsc.subcore_barrier()

    pltpu.async_copy(p_s.at[srcv.at[0]], rows0, sem0)

    def body(t, carry):
        j = 2 * t
        pltpu.async_copy(p_s.at[srcv.at[j + 1]], rows1, sem1)
        pltpu.make_async_copy(p_s.at[srcv.at[j]], rows0, sem0).wait()
        pltpu.sync_copy(rows0, acc.at[dstv.at[j]], add=True)
        pltpu.async_copy(p_s.at[srcv.at[j + 2]], rows0, sem0)
        pltpu.make_async_copy(p_s.at[srcv.at[j + 1]], rows1, sem1).wait()
        pltpu.sync_copy(rows1, acc.at[dstv.at[j + 1]], add=True)
        return carry

    lax.fori_loop(0, (_NCH - 2) // 2, body, 0)
    pltpu.async_copy(p_s.at[srcv.at[_NCH - 1]], rows1, sem1)
    pltpu.make_async_copy(p_s.at[srcv.at[_NCH - 2]], rows0, sem0).wait()
    pltpu.sync_copy(rows0, acc.at[dstv.at[_NCH - 2]], add=True)
    pltpu.make_async_copy(p_s.at[srcv.at[_NCH - 1]], rows1, sem1).wait()
    pltpu.sync_copy(rows1, acc.at[dstv.at[_NCH - 1]], add=True)
    plsc.subcore_barrier()
    pltpu.sync_copy(acc.at[pl.ds(sid * _RPS, _RPS)],
                    out_hbm.at[cid].at[pl.ds(sid * _RPS, _RPS)])


def _payload_call(feat, W, deg_src):
    def body(f_ref, w_ref, d_ref, o_ref):
        g = jnp.dot(f_ref[...], w_ref[...], preferred_element_type=jnp.float32)
        nsrc = lax.rsqrt(jnp.maximum(d_ref[...], 1.0))
        h = jnp.tanh(g * nsrc)
        la = jnp.maximum(jnp.log(jnp.abs(h)), _LOG_CLAMP)
        fx = jnp.round(la * _FIX).astype(jnp.int32)
        o_ref[...] = fx * 256 + (h < 0).astype(jnp.int32)

    return pl.pallas_call(
        body, out_shape=jax.ShapeDtypeStruct((_N, _PW), jnp.int32),
    )(feat, W, deg_src)


def _final_call(parts, deg_dst, W2):
    def body(s_ref, d_ref, w2_ref, o_ref):
        s = s_ref[0, :_N] + s_ref[1, :_N]
        neg_cnt = jnp.bitwise_and(s, 255)
        sum_log = ((s - neg_cnt) >> 8).astype(jnp.float32) * (1.0 / _FIX)
        sign = 1.0 - 2.0 * jnp.bitwise_and(neg_cnt, 1).astype(jnp.float32)
        r = sign * jnp.exp(sum_log)
        dd = d_ref[...]
        r = jnp.where(dd > 0.0, r, 0.0)
        r = r * lax.rsqrt(jnp.maximum(dd, 1.0))
        o_ref[...] = jnp.dot(r, w2_ref[...], preferred_element_type=jnp.float32)

    return pl.pallas_call(
        body, out_shape=jax.ShapeDtypeStruct((_N, _OUT), jnp.float32),
    )(parts, deg_dst, W2)


def kernel(feat, edge_index, W, W2):
    src = edge_index[0]
    dst = edge_index[1]
    zero_h = jnp.zeros((_N,), jnp.float32)
    hs, hd = _deg_kernel(src, dst, zero_h)
    deg_src = hs.sum(axis=0).reshape(_N, 1)
    deg_dst = hd.sum(axis=0).reshape(_N, 1)
    P = _payload_call(feat, W, deg_src)
    pad = _EPWP - _EPW
    src3 = jnp.concatenate(
        [src.reshape(_NW, _EPW), jnp.zeros((_NW, pad), jnp.int32)],
        axis=1).reshape(_NW, _NCH, _CH)
    pad_dst = jnp.broadcast_to(
        _N + jnp.arange(pad, dtype=jnp.int32) % (_NP - _N), (_NW, pad))
    dst3 = jnp.concatenate(
        [dst.reshape(_NW, _EPW), pad_dst], axis=1).reshape(_NW, _NCH, _CH)
    zero_r = jnp.zeros((_RPS, _PW), jnp.int32)
    parts = _agg_kernel(P, src3, dst3, zero_r)
    return _final_call(parts, deg_dst, W2)

# --- scband reference (transcript-rebuilt; emitter-appended) ---
"""Pipeline reference for scband-graph-conv-31052613550316 (READ-ONLY COPY).

The authoritative reference and input builder live on the scoring server;
editing this copy changes nothing except your own understanding.
"""

import jax, jax.numpy as jnp
import numpy as np

N = 10000
E = 320000
IN_FEATS = 128
RANK = 32
OUT_FEATS = 64

def _xavier_uniform(key, shape):
    fan_in, fan_out = shape[0], shape[1]
    a = float(np.sqrt(6.0 / (fan_in + fan_out)))
    return jax.random.uniform(key, shape, minval=-a, maxval=a, dtype=jnp.float32)

def setup_inputs(seed: int = 0) -> dict:
    key = jax.random.key(seed)
    k1, k2, k3, k4 = jax.random.split(key, 4)
    feat = jax.random.normal(k1, (N, IN_FEATS), dtype=jnp.float32)
    edge_index = jax.random.randint(k2, (2, E), 0, N, dtype=jnp.int32)
    W = _xavier_uniform(k3, (IN_FEATS, RANK))
    W2 = _xavier_uniform(k4, (RANK, OUT_FEATS))
    return {"feat": feat, "edge_index": edge_index, "W": W, "W2": W2}

def reference(feat, edge_index, W, W2):
    # DGL GraphConv with copy_src message and elementwise-PRODUCT reduce.
    # in_feats(128) > out_feats(64) -> pre-transform branch: feat_src = tanh(feat_src @ W)
    src = edge_index[0]
    dst = edge_index[1]
    n = feat.shape[0]
    e = src.shape[0]
    ones_e = jnp.ones((e,), dtype=feat.dtype)
    # norm == 'both': src-side normalization with out-degree^{-1/2}
    out_deg = jax.ops.segment_sum(ones_e, src, num_segments=n)
    out_deg = jnp.clip(out_deg, 1.0, None)
    norm_src = out_deg ** -0.5
    h = feat * norm_src[:, None]
    h = jnp.tanh(h @ W)  # [N, RANK]
    # messages: m = h[src]; reduce: product over incoming messages per dst node.
    m = h[src]  # gather [E, RANK]
    # differentiable segment-product via log|.| + sign parity (segment_sum based)
    log_abs = jnp.log(jnp.abs(m))
    sum_log = jax.ops.segment_sum(log_abs, dst, num_segments=n)
    neg = (m < 0).astype(feat.dtype)
    neg_count = jax.ops.segment_sum(neg, dst, num_segments=n)
    sign = 1.0 - 2.0 * jnp.mod(neg_count, 2.0)
    rst = sign * jnp.exp(sum_log)  # [N, RANK]
    # nodes with no incoming messages get zeros (DGL default)
    in_deg = jax.ops.segment_sum(ones_e, dst, num_segments=n)
    rst = jnp.where(in_deg[:, None] > 0, rst, jnp.zeros_like(rst))
    # dst-side normalization with in-degree^{-1/2}
    norm_dst = jnp.clip(in_deg, 1.0, None) ** -0.5
    rst = rst * norm_dst[:, None]
    # out=False -> final projection rank -> out_feats
    rst = rst @ W2
    return rst

if __name__ == "__main__":
    import jax
    _d = setup_inputs()
    print(jax.jit(kernel)(*tuple(_d.values())))

</pallas_src>

<mosaic_0001>
#map = affine_map<(d0, d1) -> (0, 0)>
#map1 = affine_map<(d0, d1) -> (0, 0, 0)>
module attributes {stable_mosaic.version = 14 : i64} {
  func.func @_agg_kernel(%arg0: i32, %arg1: i32, %arg2: memref<10000x32xi32, #tpu.memory_space<hbm>>, %arg3: memref<32x80x128xi32, #tpu.memory_space<hbm>>, %arg4: memref<32x80x128xi32, #tpu.memory_space<hbm>>, %arg5: memref<640x32xi32, #tpu.memory_space<hbm>>, %arg6: memref<2x10240x32xi32, #tpu.memory_space<hbm>>, %arg7: memref<80x128xi32, #tpu.memory_space<vmem>>, %arg8: memref<80x128xi32, #tpu.memory_space<vmem>>, %arg9: memref<128x32xi32, #tpu.memory_space<vmem>>, %arg10: memref<128x32xi32, #tpu.memory_space<vmem>>, %arg11: memref<10240x32xi32, #tpu.memory_space<vmem_shared>>, %arg12: memref<10000x32xi32, #tpu.memory_space<vmem_shared>>, %arg13: memref<!tpu.dma_semaphore, #tpu.memory_space<semaphore_mem>>, %arg14: memref<!tpu.dma_semaphore, #tpu.memory_space<semaphore_mem>>) attributes {dimension_semantics = [#tpu.dimension_semantics<core_parallel>, #tpu.dimension_semantics<subcore_parallel>], iteration_bounds = array<i64: 2, 16>, scalar_prefetch = 0 : i64, scratch_operands = 8 : i64, tpu.core_type = #tpu.core_type<sc_vector_subcore>, window_params = [{transform_indices = #map}, {transform_indices = #map1}, {transform_indices = #map1}, {transform_indices = #map}, {transform_indices = #map1}]} {
    %mul3A = arith.constant 2 : i32
    %mul3A_0 = arith.muli %arg1, %mul3A : i32
    %add3A = arith.addi %mul3A_0, %arg0 : i32
    "tpu.region"() ({
      %run_scoped3A_44 = tpu.sem_alloc : memref<!tpu.dma_semaphore, #tpu.memory_space<semaphore_mem>>
      %dma_start3A_45 = arith.constant 0 : i32
      %dma_start3A_46 = arith.constant 0 : i32
      %dma_start3A_47 = tpu.memref_slice %arg3[%add3A, %dma_start3A_45, %dma_start3A_46] : memref<32x80x128xi32, #tpu.memory_space<hbm>> -> memref<1x80x128xi32, #tpu.memory_space<hbm>>
      %dma_start3A_48 = tpu.memref_squeeze %dma_start3A_47 : memref<1x80x128xi32, #tpu.memory_space<hbm>> -> memref<80x128xi32, #tpu.memory_space<hbm>>
      %dma_start3A_49 = arith.constant 0 : i32
      %dma_start3A_50 = arith.constant 0 : i32
      %dma_start3A_51 = tpu.memref_slice %arg3[%add3A, %dma_start3A_49, %dma_start3A_50] : memref<32x80x128xi32, #tpu.memory_space<hbm>> -> memref<1x80x128xi32, #tpu.memory_space<hbm>>
      %dma_start3A_52 = tpu.memref_squeeze %dma_start3A_51 : memref<1x80x128xi32, #tpu.memory_space<hbm>> -> memref<80x128xi32, #tpu.memory_space<hbm>>
      tpu.enqueue_dma source(%dma_start3A_52 : memref<80x128xi32, #tpu.memory_space<hbm>>) target(%arg7 : memref<80x128xi32, #tpu.memory_space<vmem>>) target_semaphore(%run_scoped3A_44 : memref<!tpu.dma_semaphore, #tpu.memory_space<semaphore_mem>>)
      %dma_wait3A_53 = arith.constant 0 : i32
      %dma_wait3A_54 = arith.constant 0 : i32
      %dma_wait3A_55 = tpu.memref_slice %arg3[%add3A, %dma_wait3A_53, %dma_wait3A_54] : memref<32x80x128xi32, #tpu.memory_space<hbm>> -> memref<1x80x128xi32, #tpu.memory_space<hbm>>
      %dma_wait3A_56 = tpu.memref_squeeze %dma_wait3A_55 : memref<1x80x128xi32, #tpu.memory_space<hbm>> -> memref<80x128xi32, #tpu.memory_space<hbm>>
      %dma_wait3A_57 = arith.constant 0 : i32
      %dma_wait3A_58 = arith.constant 0 : i32
      %dma_wait3A_59 = tpu.memref_slice %arg3[%add3A, %dma_wait3A_57, %dma_wait3A_58] : memref<32x80x128xi32, #tpu.memory_space<hbm>> -> memref<1x80x128xi32, #tpu.memory_space<hbm>>
      %dma_wait3A_60 = tpu.memref_squeeze %dma_wait3A_59 : memref<1x80x128xi32, #tpu.memory_space<hbm>> -> memref<80x128xi32, #tpu.memory_space<hbm>>
      tpu.wait_dma2 semaphore(%run_scoped3A_44 : memref<!tpu.dma_semaphore, #tpu.memory_space<semaphore_mem>>) src(%dma_wait3A_60 : memref<80x128xi32, #tpu.memory_space<hbm>>) dst(%arg7 : memref<80x128xi32, #tpu.memory_space<vmem>>)
      tpu.yield
    }) : () -> ()
    "tpu.region"() ({
      %run_scoped3A_44 = tpu.sem_alloc : memref<!tpu.dma_semaphore, #tpu.memory_space<semaphore_mem>>
      %dma_start3A_45 = arith.constant 0 : i32
      %dma_start3A_46 = arith.constant 0 : i32
      %dma_start3A_47 = tpu.memref_slice %arg4[%add3A, %dma_start3A_45, %dma_start3A_46] : memref<32x80x128xi32, #tpu.memory_space<hbm>> -> memref<1x80x128xi32, #tpu.memory_space<hbm>>
      %dma_start3A_48 = tpu.memref_squeeze %dma_start3A_47 : memref<1x80x128xi32, #tpu.memory_space<hbm>> -> memref<80x128xi32, #tpu.memory_space<hbm>>
      %dma_start3A_49 = arith.constant 0 : i32
      %dma_start3A_50 = arith.constant 0 : i32
      %dma_start3A_51 = tpu.memref_slice %arg4[%add3A, %dma_start3A_49, %dma_start3A_50] : memref<32x80x128xi32, #tpu.memory_space<hbm>> -> memref<1x80x128xi32, #tpu.memory_space<hbm>>
      %dma_start3A_52 = tpu.memref_squeeze %dma_start3A_51 : memref<1x80x128xi32, #tpu.memory_space<hbm>> -> memref<80x128xi32, #tpu.memory_space<hbm>>
      tpu.enqueue_dma source(%dma_start3A_52 : memref<80x128xi32, #tpu.memory_space<hbm>>) target(%arg8 : memref<80x128xi32, #tpu.memory_space<vmem>>) target_semaphore(%run_scoped3A_44 : memref<!tpu.dma_semaphore, #tpu.memory_space<semaphore_mem>>)
      %dma_wait3A_53 = arith.constant 0 : i32
      %dma_wait3A_54 = arith.constant 0 : i32
      %dma_wait3A_55 = tpu.memref_slice %arg4[%add3A, %dma_wait3A_53, %dma_wait3A_54] : memref<32x80x128xi32, #tpu.memory_space<hbm>> -> memref<1x80x128xi32, #tpu.memory_space<hbm>>
      %dma_wait3A_56 = tpu.memref_squeeze %dma_wait3A_55 : memref<1x80x128xi32, #tpu.memory_space<hbm>> -> memref<80x128xi32, #tpu.memory_space<hbm>>
      %dma_wait3A_57 = arith.constant 0 : i32
      %dma_wait3A_58 = arith.constant 0 : i32
      %dma_wait3A_59 = tpu.memref_slice %arg4[%add3A, %dma_wait3A_57, %dma_wait3A_58] : memref<32x80x128xi32, #tpu.memory_space<hbm>> -> memref<1x80x128xi32, #tpu.memory_space<hbm>>
      %dma_wait3A_60 = tpu.memref_squeeze %dma_wait3A_59 : memref<1x80x128xi32, #tpu.memory_space<hbm>> -> memref<80x128xi32, #tpu.memory_space<hbm>>
      tpu.wait_dma2 semaphore(%run_scoped3A_44 : memref<!tpu.dma_semaphore, #tpu.memory_space<semaphore_mem>>) src(%dma_wait3A_60 : memref<80x128xi32, #tpu.memory_space<hbm>>) dst(%arg8 : memref<80x128xi32, #tpu.memory_space<vmem>>)
      tpu.yield
    }) : () -> ()
    %mul3A_1 = arith.constant 640 : i32
    %mul3A_2 = arith.muli %arg1, %mul3A_1 : i32
    "tpu.region"() ({
      %run_scoped3A_44 = tpu.sem_alloc : memref<!tpu.dma_semaphore, #tpu.memory_space<semaphore_mem>>
      %dma_start3A_45 = arith.constant 0 : i32
      %dma_start3A_46 = tpu.memref_slice %arg11[%mul3A_2, %dma_start3A_45] : memref<10240x32xi32, #tpu.memory_space<vmem_shared>> -> memref<640x32xi32, #tpu.memory_space<vmem_shared>>
      tpu.enqueue_dma source(%arg5 : memref<640x32xi32, #tpu.memory_space<hbm>>) target(%dma_start3A_46 : memref<640x32xi32, #tpu.memory_space<vmem_shared>>) target_semaphore(%run_scoped3A_44 : memref<!tpu.dma_semaphore, #tpu.memory_space<semaphore_mem>>)
      %dma_wait3A_47 = arith.constant 0 : i32
      %dma_wait3A_48 = tpu.memref_slice %arg11[%mul3A_2, %dma_wait3A_47] : memref<10240x32xi32, #tpu.memory_space<vmem_shared>> -> memref<640x32xi32, #tpu.memory_space<vmem_shared>>
      tpu.wait_dma2 semaphore(%run_scoped3A_44 : memref<!tpu.dma_semaphore, #tpu.memory_space<semaphore_mem>>) src(%arg5 : memref<640x32xi32, #tpu.memory_space<hbm>>) dst(%dma_wait3A_48 : memref<640x32xi32, #tpu.memory_space<vmem_shared>>)
      tpu.yield
    }) : () -> ()
    %mul3A_3 = arith.constant 624 : i32
    %mul3A_4 = arith.muli %arg1, %mul3A_3 : i32
    %mul3A_5 = arith.constant 624 : i32
    %mul3A_6 = arith.muli %arg1, %mul3A_5 : i32
    "tpu.region"() ({
      %run_scoped3A_44 = tpu.sem_alloc : memref<!tpu.dma_semaphore, #tpu.memory_space<semaphore_mem>>
      %dma_start3A_45 = arith.constant 0 : i32
      %dma_start3A_46 = tpu.memref_slice %arg12[%mul3A_6, %dma_start3A_45] : memref<10000x32xi32, #tpu.memory_space<vmem_shared>> -> memref<640x32xi32, #tpu.memory_space<vmem_shared>>
      %dma_start3A_47 = arith.constant 0 : i32
      %dma_start3A_48 = tpu.memref_slice %arg2[%mul3A_4, %dma_start3A_47] : memref<10000x32xi32, #tpu.memory_space<hbm>> -> memref<640x32xi32, #tpu.memory_space<hbm>>
      tpu.enqueue_dma source(%dma_start3A_48 : memref<640x32xi32, #tpu.memory_space<hbm>>) target(%dma_start3A_46 : memref<640x32xi32, #tpu.memory_space<vmem_shared>>) target_semaphore(%run_scoped3A_44 : memref<!tpu.dma_semaphore, #tpu.memory_space<semaphore_mem>>)
      %dma_wait3A_49 = arith.constant 0 : i32
      %dma_wait3A_50 = tpu.memref_slice %arg12[%mul3A_6, %dma_wait3A_49] : memref<10000x32xi32, #tpu.memory_space<vmem_shared>> -> memref<640x32xi32, #tpu.memory_space<vmem_shared>>
      %dma_wait3A_51 = arith.constant 0 : i32
      %dma_wait3A_52 = tpu.memref_slice %arg2[%mul3A_4, %dma_wait3A_51] : memref<10000x32xi32, #tpu.memory_space<hbm>> -> memref<640x32xi32, #tpu.memory_space<hbm>>
      tpu.wait_dma2 semaphore(%run_scoped3A_44 : memref<!tpu.dma_semaphore, #tpu.memory_space<semaphore_mem>>) src(%dma_wait3A_52 : memref<640x32xi32, #tpu.memory_space<hbm>>) dst(%dma_wait3A_50 : memref<640x32xi32, #tpu.memory_space<vmem_shared>>)
      tpu.yield
    }) : () -> ()
    %barrier3A = arith.constant 0 : index
    tpu.barrier barrier_id(%barrier3A)
    %dma_start3A = arith.constant 0 : i32
    %dma_start3A_7 = arith.constant 0 : i32
    %dma_start3A_8 = tpu.memref_slice %arg7[%dma_start3A, %dma_start3A_7] : memref<80x128xi32, #tpu.memory_space<vmem>> -> memref<1x128xi32, #tpu.memory_space<vmem>>
    %dma_start3A_9 = tpu.memref_squeeze %dma_start3A_8 : memref<1x128xi32, #tpu.memory_space<vmem>> -> memref<128xi32, #tpu.memory_space<vmem>>
    %dma_start3A_10 = arith.constant 0 : i32
    %dma_start3A_11 = arith.constant 0 : i32
    %dma_start3A_12 = tpu.memref_slice %arg12[%dma_start3A_10, %dma_start3A_11] : memref<10000x32xi32, #tpu.memory_space<vmem_shared>> -> memref<10000x32xi32, #tpu.memory_space<vmem_shared>>
    tpu.enqueue_indirect_dma source(%dma_start3A_12 : memref<10000x32xi32, #tpu.memory_space<vmem_shared>>) target(%arg9 : memref<128x32xi32, #tpu.memory_space<vmem>>) offsets(%dma_start3A_9 : memref<128xi32, #tpu.memory_space<vmem>>) semaphore(%arg13 : memref<!tpu.dma_semaphore, #tpu.memory_space<semaphore_mem>>)
    %scan3A = arith.constant 0 : i32
    %scan3A_13 = arith.constant 0 : i32
    %scan3A_14 = arith.constant 39 : i32
    %scan3A_15 = arith.addi %scan3A_13, %scan3A_14 : i32
    %scan3A_16 = arith.constant 1 : i32
    scf.for %scan3A_44 = %scan3A_13 to %scan3A_15 step %scan3A_16  : i32 {
      %mul3A_45 = arith.constant 2 : i32
      %mul3A_46 = arith.muli %mul3A_45, %scan3A_44 : i32
      %add3A_47 = arith.constant 1 : i32
      %add3A_48 = arith.addi %mul3A_46, %add3A_47 : i32
      %dma_start3A_49 = arith.constant 0 : i32
      %dma_start3A_50 = tpu.memref_slice %arg7[%add3A_48, %dma_start3A_49] : memref<80x128xi32, #tpu.memory_space<vmem>> -> memref<1x128xi32, #tpu.memory_space<vmem>>
      %dma_start3A_51 = tpu.memref_squeeze %dma_start3A_50 : memref<1x128xi32, #tpu.memory_space<vmem>> -> memref<128xi32, #tpu.memory_space<vmem>>
      %dma_start3A_52 = arith.constant 0 : i32
      %dma_start3A_53 = arith.constant 0 : i32
      %dma_start3A_54 = tpu.memref_slice %arg12[%dma_start3A_52, %dma_start3A_53] : memref<10000x32xi32, #tpu.memory_space<vmem_shared>> -> memref<10000x32xi32, #tpu.memory_space<vmem_shared>>
      tpu.enqueue_indirect_dma source(%dma_start3A_54 : memref<10000x32xi32, #tpu.memory_space<vmem_shared>>) target(%arg10 : memref<128x32xi32, #tpu.memory_space<vmem>>) offsets(%dma_start3A_51 : memref<128xi32, #tpu.memory_space<vmem>>) semaphore(%arg14 : memref<!tpu.dma_semaphore, #tpu.memory_space<semaphore_mem>>)
      %dma_wait3A_55 = arith.constant 0 : i32
      %dma_wait3A_56 = tpu.memref_slice %arg7[%mul3A_46, %dma_wait3A_55] : memref<80x128xi32, #tpu.memory_space<vmem>> -> memref<1x128xi32, #tpu.memory_space<vmem>>
      %dma_wait3A_57 = tpu.memref_squeeze %dma_wait3A_56 : memref<1x128xi32, #tpu.memory_space<vmem>> -> memref<128xi32, #tpu.memory_space<vmem>>
      %dma_wait3A_58 = arith.constant 0 : i32
      %dma_wait3A_59 = arith.constant 0 : i32
      %dma_wait3A_60 = tpu.memref_slice %arg12[%dma_wait3A_58, %dma_wait3A_59] : memref<10000x32xi32, #tpu.memory_space<vmem_shared>> -> memref<10000x32xi32, #tpu.memory_space<vmem_shared>>
      tpu.wait_indirect_dma semaphore(%arg13 : memref<!tpu.dma_semaphore, #tpu.memory_space<semaphore_mem>>) src(%dma_wait3A_60 : memref<10000x32xi32, #tpu.memory_space<vmem_shared>>) dst(%arg9 : memref<128x32xi32, #tpu.memory_space<vmem>>)
      "tpu.region"() ({
        %run_scoped3A_79 = tpu.sem_alloc : memref<!tpu.dma_semaphore, #tpu.memory_space<semaphore_mem>>
        %dma_start3A_80 = arith.constant 0 : i32
        %dma_start3A_81 = tpu.memref_slice %arg8[%mul3A_46, %dma_start3A_80] : memref<80x128xi32, #tpu.memory_space<vmem>> -> memref<1x128xi32, #tpu.memory_space<vmem>>
        %dma_start3A_82 = tpu.memref_squeeze %dma_start3A_81 : memref<1x128xi32, #tpu.memory_space<vmem>> -> memref<128xi32, #tpu.memory_space<vmem>>
        %dma_start3A_83 = arith.constant 0 : i32
        %dma_start3A_84 = arith.constant 0 : i32
        %dma_start3A_85 = tpu.memref_slice %arg11[%dma_start3A_83, %dma_start3A_84] : memref<10240x32xi32, #tpu.memory_space<vmem_shared>> -> memref<10240x32xi32, #tpu.memory_space<vmem_shared>>
        tpu.enqueue_indirect_dma source(%arg9 : memref<128x32xi32, #tpu.memory_space<vmem>>) target(%dma_start3A_85 : memref<10240x32xi32, #tpu.memory_space<vmem_shared>>) offsets(%dma_start3A_82 : memref<128xi32, #tpu.memory_space<vmem>>) semaphore(%run_scoped3A_79 : memref<!tpu.dma_semaphore, #tpu.memory_space<semaphore_mem>>) {add = true}
        %dma_wait3A_86 = arith.constant 0 : i32
        %dma_wait3A_87 = tpu.memref_slice %arg8[%mul3A_46, %dma_wait3A_86] : memref<80x128xi32, #tpu.memory_space<vmem>> -> memref<1x128xi32, #tpu.memory_space<vmem>>
        %dma_wait3A_88 = tpu.memref_squeeze %dma_wait3A_87 : memref<1x128xi32, #tpu.memory_space<vmem>> -> memref<128xi32, #tpu.memory_space<vmem>>
        %dma_wait3A_89 = arith.constant 0 : i32
        %dma_wait3A_90 = arith.constant 0 : i32
        %dma_wait3A_91 = tpu.memref_slice %arg11[%dma_wait3A_89, %dma_wait3A_90] : memref<10240x32xi32, #tpu.memory_space<vmem_shared>> -> memref<10240x32xi32, #tpu.memory_space<vmem_shared>>
        tpu.wait_indirect_dma semaphore(%run_scoped3A_79 : memref<!tpu.dma_semaphore, #tpu.memory_space<semaphore_mem>>) src(%arg9 : memref<128x32xi32, #tpu.memory_space<vmem>>) dst(%dma_wait3A_91 : memref<10240x32xi32, #tpu.memory_space<vmem_shared>>)
        tpu.yield
      }) : () -> ()
      %add3A_61 = arith.constant 2 : i32
      %add3A_62 = arith.addi %mul3A_46, %add3A_61 : i32
      %dma_start3A_63 = arith.constant 0 : i32
      %dma_start3A_64 = tpu.memref_slice %arg7[%add3A_62, %dma_start3A_63] : memref<80x128xi32, #tpu.memory_space<vmem>> -> memref<1x128xi32, #tpu.memory_space<vmem>>
      %dma_start3A_65 = tpu.memref_squeeze %dma_start3A_64 : memref<1x128xi32, #tpu.memory_space<vmem>> -> memref<128xi32, #tpu.memory_space<vmem>>
      %dma_start3A_66 = arith.constant 0 : i32
      %dma_start3A_67 = arith.constant 0 : i32
      %dma_start3A_68 = tpu.memref_slice %arg12[%dma_start3A_66, %dma_start3A_67] : memref<10000x32xi32, #tpu.memory_space<vmem_shared>> -> memref<10000x32xi32, #tpu.memory_space<vmem_shared>>
      tpu.enqueue_indirect_dma source(%dma_start3A_68 : memref<10000x32xi32, #tpu.memory_space<vmem_shared>>) target(%arg9 : memref<128x32xi32, #tpu.memory_space<vmem>>) offsets(%dma_start3A_65 : memref<128xi32, #tpu.memory_space<vmem>>) semaphore(%arg13 : memref<!tpu.dma_semaphore, #tpu.memory_space<semaphore_mem>>)
      %add3A_69 = arith.constant 1 : i32
      %add3A_70 = arith.addi %mul3A_46, %add3A_69 : i32
      %dma_wait3A_71 = arith.constant 0 : i32
      %dma_wait3A_72 = tpu.memref_slice %arg7[%add3A_70, %dma_wait3A_71] : memref<80x128xi32, #tpu.memory_space<vmem>> -> memref<1x128xi32, #tpu.memory_space<vmem>>
      %dma_wait3A_73 = tpu.memref_squeeze %dma_wait3A_72 : memref<1x128xi32, #tpu.memory_space<vmem>> -> memref<128xi32, #tpu.memory_space<vmem>>
      %dma_wait3A_74 = arith.constant 0 : i32
      %dma_wait3A_75 = arith.constant 0 : i32
      %dma_wait3A_76 = tpu.memref_slice %arg12[%dma_wait3A_74, %dma_wait3A_75] : memref<10000x32xi32, #tpu.memory_space<vmem_shared>> -> memref<10000x32xi32, #tpu.memory_space<vmem_shared>>
      tpu.wait_indirect_dma semaphore(%arg14 : memref<!tpu.dma_semaphore, #tpu.memory_space<semaphore_mem>>) src(%dma_wait3A_76 : memref<10000x32xi32, #tpu.memory_space<vmem_shared>>) dst(%arg10 : memref<128x32xi32, #tpu.memory_space<vmem>>)
      %add3A_77 = arith.constant 1 : i32
      %add3A_78 = arith.addi %mul3A_46, %add3A_77 : i32
      "tpu.region"() ({
        %run_scoped3A_79 = tpu.sem_alloc : memref<!tpu.dma_semaphore, #tpu.memory_space<semaphore_mem>>
        %dma_start3A_80 = arith.constant 0 : i32
        %dma_start3A_81 = tpu.memref_slice %arg8[%add3A_78, %dma_start3A_80] : memref<80x128xi32, #tpu.memory_space<vmem>> -> memref<1x128xi32, #tpu.memory_space<vmem>>
        %dma_start3A_82 = tpu.memref_squeeze %dma_start3A_81 : memref<1x128xi32, #tpu.memory_space<vmem>> -> memref<128xi32, #tpu.memory_space<vmem>>
        %dma_start3A_83 = arith.constant 0 : i32
        %dma_start3A_84 = arith.constant 0 : i32
        %dma_start3A_85 = tpu.memref_slice %arg11[%dma_start3A_83, %dma_start3A_84] : memref<10240x32xi32, #tpu.memory_space<vmem_shared>> -> memref<10240x32xi32, #tpu.memory_space<vmem_shared>>
        tpu.enqueue_indirect_dma source(%arg10 : memref<128x32xi32, #tpu.memory_space<vmem>>) target(%dma_start3A_85 : memref<10240x32xi32, #tpu.memory_space<vmem_shared>>) offsets(%dma_start3A_82 : memref<128xi32, #tpu.memory_space<vmem>>) semaphore(%run_scoped3A_79 : memref<!tpu.dma_semaphore, #tpu.memory_space<semaphore_mem>>) {add = true}
        %dma_wait3A_86 = arith.constant 0 : i32
        %dma_wait3A_87 = tpu.memref_slice %arg8[%add3A_78, %dma_wait3A_86] : memref<80x128xi32, #tpu.memory_space<vmem>> -> memref<1x128xi32, #tpu.memory_space<vmem>>
        %dma_wait3A_88 = tpu.memref_squeeze %dma_wait3A_87 : memref<1x128xi32, #tpu.memory_space<vmem>> -> memref<128xi32, #tpu.memory_space<vmem>>
        %dma_wait3A_89 = arith.constant 0 : i32
        %dma_wait3A_90 = arith.constant 0 : i32
        %dma_wait3A_91 = tpu.memref_slice %arg11[%dma_wait3A_89, %dma_wait3A_90] : memref<10240x32xi32, #tpu.memory_space<vmem_shared>> -> memref<10240x32xi32, #tpu.memory_space<vmem_shared>>
        tpu.wait_indirect_dma semaphore(%run_scoped3A_79 : memref<!tpu.dma_semaphore, #tpu.memory_space<semaphore_mem>>) src(%arg10 : memref<128x32xi32, #tpu.memory_space<vmem>>) dst(%dma_wait3A_91 : memref<10240x32xi32, #tpu.memory_space<vmem_shared>>)
        tpu.yield
      }) : () -> ()
    }
    %scan3A_17 = arith.constant 39 : i32
    %dma_start3A_18 = arith.constant 79 : i32
    %dma_start3A_19 = arith.constant 0 : i32
    %dma_start3A_20 = tpu.memref_slice %arg7[%dma_start3A_18, %dma_start3A_19] : memref<80x128xi32, #tpu.memory_space<vmem>> -> memref<1x128xi32, #tpu.memory_space<vmem>>
    %dma_start3A_21 = tpu.memref_squeeze %dma_start3A_20 : memref<1x128xi32, #tpu.memory_space<vmem>> -> memref<128xi32, #tpu.memory_space<vmem>>
    %dma_start3A_22 = arith.constant 0 : i32
    %dma_start3A_23 = arith.constant 0 : i32
    %dma_start3A_24 = tpu.memref_slice %arg12[%dma_start3A_22, %dma_start3A_23] : memref<10000x32xi32, #tpu.memory_space<vmem_shared>> -> memref<10000x32xi32, #tpu.memory_space<vmem_shared>>
    tpu.enqueue_indirect_dma source(%dma_start3A_24 : memref<10000x32xi32, #tpu.memory_space<vmem_shared>>) target(%arg10 : memref<128x32xi32, #tpu.memory_space<vmem>>) offsets(%dma_start3A_21 : memref<128xi32, #tpu.memory_space<vmem>>) semaphore(%arg14 : memref<!tpu.dma_semaphore, #tpu.memory_space<semaphore_mem>>)
    %dma_wait3A = arith.constant 78 : i32
    %dma_wait3A_25 = arith.constant 0 : i32
    %dma_wait3A_26 = tpu.memref_slice %arg7[%dma_wait3A, %dma_wait3A_25] : memref<80x128xi32, #tpu.memory_space<vmem>> -> memref<1x128xi32, #tpu.memory_space<vmem>>
    %dma_wait3A_27 = tpu.memref_squeeze %dma_wait3A_26 : memref<1x128xi32, #tpu.memory_space<vmem>> -> memref<128xi32, #tpu.memory_space<vmem>>
    %dma_wait3A_28 = arith.constant 0 : i32
    %dma_wait3A_29 = arith.constant 0 : i32
    %dma_wait3A_30 = tpu.memref_slice %arg12[%dma_wait3A_28, %dma_wait3A_29] : memref<10000x32xi32, #tpu.memory_space<vmem_shared>> -> memref<10000x32xi32, #tpu.memory_space<vmem_shared>>
    tpu.wait_indirect_dma semaphore(%arg13 : memref<!tpu.dma_semaphore, #tpu.memory_space<semaphore_mem>>) src(%dma_wait3A_30 : memref<10000x32xi32, #tpu.memory_space<vmem_shared>>) dst(%arg9 : memref<128x32xi32, #tpu.memory_space<vmem>>)
    %run_scoped3A = arith.constant 78 : i32
    "tpu.region"() ({
      %run_scoped3A_44 = tpu.sem_alloc : memref<!tpu.dma_semaphore, #tpu.memory_space<semaphore_mem>>
      %dma_start3A_45 = arith.constant 0 : i32
      %dma_start3A_46 = tpu.memref_slice %arg8[%run_scoped3A, %dma_start3A_45] : memref<80x128xi32, #tpu.memory_space<vmem>> -> memref<1x128xi32, #tpu.memory_space<vmem>>
      %dma_start3A_47 = tpu.memref_squeeze %dma_start3A_46 : memref<1x128xi32, #tpu.memory_space<vmem>> -> memref<128xi32, #tpu.memory_space<vmem>>
      %dma_start3A_48 = arith.constant 0 : i32
      %dma_start3A_49 = arith.constant 0 : i32
      %dma_start3A_50 = tpu.memref_slice %arg11[%dma_start3A_48, %dma_start3A_49] : memref<10240x32xi32, #tpu.memory_space<vmem_shared>> -> memref<10240x32xi32, #tpu.memory_space<vmem_shared>>
      tpu.enqueue_indirect_dma source(%arg9 : memref<128x32xi32, #tpu.memory_space<vmem>>) target(%dma_start3A_50 : memref<10240x32xi32, #tpu.memory_space<vmem_shared>>) offsets(%dma_start3A_47 : memref<128xi32, #tpu.memory_space<vmem>>) semaphore(%run_scoped3A_44 : memref<!tpu.dma_semaphore, #tpu.memory_space<semaphore_mem>>) {add = true}
      %dma_wait3A_51 = arith.constant 0 : i32
      %dma_wait3A_52 = tpu.memref_slice %arg8[%run_scoped3A, %dma_wait3A_51] : memref<80x128xi32, #tpu.memory_space<vmem>> -> memref<1x128xi32, #tpu.memory_space<vmem>>
      %dma_wait3A_53 = tpu.memref_squeeze %dma_wait3A_52 : memref<1x128xi32, #tpu.memory_space<vmem>> -> memref<128xi32, #tpu.memory_space<vmem>>
      %dma_wait3A_54 = arith.constant 0 : i32
      %dma_wait3A_55 = arith.constant 0 : i32
      %dma_wait3A_56 = tpu.memref_slice %arg11[%dma_wait3A_54, %dma_wait3A_55] : memref<10240x32xi32, #tpu.memory_space<vmem_shared>> -> memref<10240x32xi32, #tpu.memory_space<vmem_shared>>
      tpu.wait_indirect_dma semaphore(%run_scoped3A_44 : memref<!tpu.dma_semaphore, #tpu.memory_space<semaphore_mem>>) src(%arg9 : memref<128x32xi32, #tpu.memory_space<vmem>>) dst(%dma_wait3A_56 : memref<10240x32xi32, #tpu.memory_space<vmem_shared>>)
      tpu.yield
    }) : () -> ()
    %dma_wait3A_31 = arith.constant 79 : i32
    %dma_wait3A_32 = arith.constant 0 : i32
    %dma_wait3A_33 = tpu.memref_slice %arg7[%dma_wait3A_31, %dma_wait3A_32] : memref<80x128xi32, #tpu.memory_space<vmem>> -> memref<1x128xi32, #tpu.memory_space<vmem>>
    %dma_wait3A_34 = tpu.memref_squeeze %dma_wait3A_33 : memref<1x128xi32, #tpu.memory_space<vmem>> -> memref<128xi32, #tpu.memory_space<vmem>>
    %dma_wait3A_35 = arith.constant 0 : i32
    %dma_wait3A_36 = arith.constant 0 : i32
    %dma_wait3A_37 = tpu.memref_slice %arg12[%dma_wait3A_35, %dma_wait3A_36] : memref<10000x32xi32, #tpu.memory_space<vmem_shared>> -> memref<10000x32xi32, #tpu.memory_space<vmem_shared>>
    tpu.wait_indirect_dma semaphore(%arg14 : memref<!tpu.dma_semaphore, #tpu.memory_space<semaphore_mem>>) src(%dma_wait3A_37 : memref<10000x32xi32, #tpu.memory_space<vmem_shared>>) dst(%arg10 : memref<128x32xi32, #tpu.memory_space<vmem>>)
    %run_scoped3A_38 = arith.constant 79 : i32
    "tpu.region"() ({
      %run_scoped3A_44 = tpu.sem_alloc : memref<!tpu.dma_semaphore, #tpu.memory_space<semaphore_mem>>
      %dma_start3A_45 = arith.constant 0 : i32
      %dma_start3A_46 = tpu.memref_slice %arg8[%run_scoped3A_38, %dma_start3A_45] : memref<80x128xi32, #tpu.memory_space<vmem>> -> memref<1x128xi32, #tpu.memory_space<vmem>>
      %dma_start3A_47 = tpu.memref_squeeze %dma_start3A_46 : memref<1x128xi32, #tpu.memory_space<vmem>> -> memref<128xi32, #tpu.memory_space<vmem>>
      %dma_start3A_48 = arith.constant 0 : i32
      %dma_start3A_49 = arith.constant 0 : i32
      %dma_start3A_50 = tpu.memref_slice %arg11[%dma_start3A_48, %dma_start3A_49] : memref<10240x32xi32, #tpu.memory_space<vmem_shared>> -> memref<10240x32xi32, #tpu.memory_space<vmem_shared>>
      tpu.enqueue_indirect_dma source(%arg10 : memref<128x32xi32, #tpu.memory_space<vmem>>) target(%dma_start3A_50 : memref<10240x32xi32, #tpu.memory_space<vmem_shared>>) offsets(%dma_start3A_47 : memref<128xi32, #tpu.memory_space<vmem>>) semaphore(%run_scoped3A_44 : memref<!tpu.dma_semaphore, #tpu.memory_space<semaphore_mem>>) {add = true}
      %dma_wait3A_51 = arith.constant 0 : i32
      %dma_wait3A_52 = tpu.memref_slice %arg8[%run_scoped3A_38, %dma_wait3A_51] : memref<80x128xi32, #tpu.memory_space<vmem>> -> memref<1x128xi32, #tpu.memory_space<vmem>>
      %dma_wait3A_53 = tpu.memref_squeeze %dma_wait3A_52 : memref<1x128xi32, #tpu.memory_space<vmem>> -> memref<128xi32, #tpu.memory_space<vmem>>
      %dma_wait3A_54 = arith.constant 0 : i32
      %dma_wait3A_55 = arith.constant 0 : i32
      %dma_wait3A_56 = tpu.memref_slice %arg11[%dma_wait3A_54, %dma_wait3A_55] : memref<10240x32xi32, #tpu.memory_space<vmem_shared>> -> memref<10240x32xi32, #tpu.memory_space<vmem_shared>>
      tpu.wait_indirect_dma semaphore(%run_scoped3A_44 : memref<!tpu.dma_semaphore, #tpu.memory_space<semaphore_mem>>) src(%arg10 : memref<128x32xi32, #tpu.memory_space<vmem>>) dst(%dma_wait3A_56 : memref<10240x32xi32, #tpu.memory_space<vmem_shared>>)
      tpu.yield
    }) : () -> ()
    %barrier3A_39 = arith.constant 0 : index
    tpu.barrier barrier_id(%barrier3A_39)
    %mul3A_40 = arith.constant 640 : i32
    %mul3A_41 = arith.muli %arg1, %mul3A_40 : i32
    %mul3A_42 = arith.constant 640 : i32
    %mul3A_43 = arith.muli %arg1, %mul3A_42 : i32
    "tpu.region"() ({
      %run_scoped3A_44 = tpu.sem_alloc : memref<!tpu.dma_semaphore, #tpu.memory_space<semaphore_mem>>
      %dma_start3A_45 = arith.constant 0 : i32
      %dma_start3A_46 = arith.constant 0 : i32
      %dma_start3A_47 = tpu.memref_slice %arg6[%arg0, %dma_start3A_45, %dma_start3A_46] : memref<2x10240x32xi32, #tpu.memory_space<hbm>> -> memref<1x10240x32xi32, #tpu.memory_space<hbm>>
      %dma_start3A_48 = tpu.memref_squeeze %dma_start3A_47 : memref<1x10240x32xi32, #tpu.memory_space<hbm>> -> memref<10240x32xi32, #tpu.memory_space<hbm>>
      %dma_start3A_49 = arith.constant 0 : i32
      %dma_start3A_50 = tpu.memref_slice %dma_start3A_48[%mul3A_43, %dma_start3A_49] : memref<10240x32xi32, #tpu.memory_space<hbm>> -> memref<640x32xi32, #tpu.memory_space<hbm>>
      %dma_start3A_51 = arith.constant 0 : i32
      %dma_start3A_52 = tpu.memref_slice %arg11[%mul3A_41, %dma_start3A_51] : memref<10240x32xi32, #tpu.memory_space<vmem_shared>> -> memref<640x32xi32, #tpu.memory_space<vmem_shared>>
      tpu.enqueue_dma source(%dma_start3A_52 : memref<640x32xi32, #tpu.memory_space<vmem_shared>>) target(%dma_start3A_50 : memref<640x32xi32, #tpu.memory_space<hbm>>) target_semaphore(%run_scoped3A_44 : memref<!tpu.dma_semaphore, #tpu.memory_space<semaphore_mem>>)
      %dma_wait3A_53 = arith.constant 0 : i32
      %dma_wait3A_54 = arith.constant 0 : i32
      %dma_wait3A_55 = tpu.memref_slice %arg6[%arg0, %dma_wait3A_53, %dma_wait3A_54] : memref<2x10240x32xi32, #tpu.memory_space<hbm>> -> memref<1x10240x32xi32, #tpu.memory_space<hbm>>
      %dma_wait3A_56 = tpu.memref_squeeze %dma_wait3A_55 : memref<1x10240x32xi32, #tpu.memory_space<hbm>> -> memref<10240x32xi32, #tpu.memory_space<hbm>>
      %dma_wait3A_57 = arith.constant 0 : i32
      %dma_wait3A_58 = tpu.memref_slice %dma_wait3A_56[%mul3A_43, %dma_wait3A_57] : memref<10240x32xi32, #tpu.memory_space<hbm>> -> memref<640x32xi32, #tpu.memory_space<hbm>>
      %dma_wait3A_59 = arith.constant 0 : i32
      %dma_wait3A_60 = tpu.memref_slice %arg11[%mul3A_41, %dma_wait3A_59] : memref<10240x32xi32, #tpu.memory_space<vmem_shared>> -> memref<640x32xi32, #tpu.memory_space<vmem_shared>>
      tpu.wait_dma2 semaphore(%run_scoped3A_44 : memref<!tpu.dma_semaphore, #tpu.memory_space<semaphore_mem>>) src(%dma_wait3A_60 : memref<640x32xi32, #tpu.memory_space<vmem_shared>>) dst(%dma_wait3A_58 : memref<640x32xi32, #tpu.memory_space<hbm>>)
      tpu.yield
    }) : () -> ()
    return
  }
}

#map = affine_map<(d0, d1) -> (0)>
#map1 = affine_map<(d0, d1) -> (0, 0)>
module attributes {stable_mosaic.version = 14 : i64} {
  func.func @_deg_kernel(%arg0: i32, %arg1: i32, %arg2: memref<320000xi32, #tpu.memory_space<hbm>>, %arg3: memref<320000xi32, #tpu.memory_space<hbm>>, %arg4: memref<10000xf32, #tpu.memory_space<hbm>>, %arg5: memref<32x10000xf32, #tpu.memory_space<hbm>>, %arg6: memref<32x10000xf32, #tpu.memory_space<hbm>>, %arg7: memref<10000xi32, #tpu.memory_space<vmem>>, %arg8: memref<10000xi32, #tpu.memory_space<vmem>>, %arg9: memref<10000xf32, #tpu.memory_space<vmem>>, %arg10: memref<10000xf32, #tpu.memory_space<vmem>>) attributes {dimension_semantics = [#tpu.dimension_semantics<core_parallel>, #tpu.dimension_semantics<subcore_parallel>], iteration_bounds = array<i64: 2, 16>, scalar_prefetch = 0 : i64, scratch_operands = 4 : i64, tpu.core_type = #tpu.core_type<sc_vector_subcore>, window_params = [{transform_indices = #map}, {transform_indices = #map}, {transform_indices = #map}, {transform_indices = #map1}, {transform_indices = #map1}]} {
    %mul3A = arith.constant 2 : i32
    %mul3A_0 = arith.muli %arg1, %mul3A : i32
    %add3A = arith.addi %mul3A_0, %arg0 : i32
    %mul3A_1 = arith.constant 10000 : i32
    %mul3A_2 = arith.muli %add3A, %mul3A_1 : i32
    "tpu.region"() ({
      %run_scoped3A = tpu.sem_alloc : memref<!tpu.dma_semaphore, #tpu.memory_space<semaphore_mem>>
      %dma_start3A = tpu.memref_slice %arg2[%mul3A_2] : memref<320000xi32, #tpu.memory_space<hbm>> -> memref<10000xi32, #tpu.memory_space<hbm>>
      %dma_start3A_9 = tpu.memref_slice %arg2[%mul3A_2] : memref<320000xi32, #tpu.memory_space<hbm>> -> memref<10000xi32, #tpu.memory_space<hbm>>
      tpu.enqueue_dma source(%dma_start3A_9 : memref<10000xi32, #tpu.memory_space<hbm>>) target(%arg7 : memref<10000xi32, #tpu.memory_space<vmem>>) target_semaphore(%run_scoped3A : memref<!tpu.dma_semaphore, #tpu.memory_space<semaphore_mem>>)
      %dma_wait3A = tpu.memref_slice %arg2[%mul3A_2] : memref<320000xi32, #tpu.memory_space<hbm>> -> memref<10000xi32, #tpu.memory_space<hbm>>
      %dma_wait3A_10 = tpu.memref_slice %arg2[%mul3A_2] : memref<320000xi32, #tpu.memory_space<hbm>> -> memref<10000xi32, #tpu.memory_space<hbm>>
      tpu.wait_dma2 semaphore(%run_scoped3A : memref<!tpu.dma_semaphore, #tpu.memory_space<semaphore_mem>>) src(%dma_wait3A_10 : memref<10000xi32, #tpu.memory_space<hbm>>) dst(%arg7 : memref<10000xi32, #tpu.memory_space<vmem>>)
      tpu.yield
    }) : () -> ()
    "tpu.region"() ({
      %run_scoped3A = tpu.sem_alloc : memref<!tpu.dma_semaphore, #tpu.memory_space<semaphore_mem>>
      %dma_start3A = tpu.memref_slice %arg3[%mul3A_2] : memref<320000xi32, #tpu.memory_space<hbm>> -> memref<10000xi32, #tpu.memory_space<hbm>>
      %dma_start3A_9 = tpu.memref_slice %arg3[%mul3A_2] : memref<320000xi32, #tpu.memory_space<hbm>> -> memref<10000xi32, #tpu.memory_space<hbm>>
      tpu.enqueue_dma source(%dma_start3A_9 : memref<10000xi32, #tpu.memory_space<hbm>>) target(%arg8 : memref<10000xi32, #tpu.memory_space<vmem>>) target_semaphore(%run_scoped3A : memref<!tpu.dma_semaphore, #tpu.memory_space<semaphore_mem>>)
      %dma_wait3A = tpu.memref_slice %arg3[%mul3A_2] : memref<320000xi32, #tpu.memory_space<hbm>> -> memref<10000xi32, #tpu.memory_space<hbm>>
      %dma_wait3A_10 = tpu.memref_slice %arg3[%mul3A_2] : memref<320000xi32, #tpu.memory_space<hbm>> -> memref<10000xi32, #tpu.memory_space<hbm>>
      tpu.wait_dma2 semaphore(%run_scoped3A : memref<!tpu.dma_semaphore, #tpu.memory_space<semaphore_mem>>) src(%dma_wait3A_10 : memref<10000xi32, #tpu.memory_space<hbm>>) dst(%arg8 : memref<10000xi32, #tpu.memory_space<vmem>>)
      tpu.yield
    }) : () -> ()
    "tpu.region"() ({
      %run_scoped3A = tpu.sem_alloc : memref<!tpu.dma_semaphore, #tpu.memory_space<semaphore_mem>>
      tpu.enqueue_dma source(%arg4 : memref<10000xf32, #tpu.memory_space<hbm>>) target(%arg9 : memref<10000xf32, #tpu.memory_space<vmem>>) target_semaphore(%run_scoped3A : memref<!tpu.dma_semaphore, #tpu.memory_space<semaphore_mem>>)
      tpu.wait_dma2 semaphore(%run_scoped3A : memref<!tpu.dma_semaphore, #tpu.memory_space<semaphore_mem>>) src(%arg4 : memref<10000xf32, #tpu.memory_space<hbm>>) dst(%arg9 : memref<10000xf32, #tpu.memory_space<vmem>>)
      tpu.yield
    }) : () -> ()
    "tpu.region"() ({
      %run_scoped3A = tpu.sem_alloc : memref<!tpu.dma_semaphore, #tpu.memory_space<semaphore_mem>>
      tpu.enqueue_dma source(%arg4 : memref<10000xf32, #tpu.memory_space<hbm>>) target(%arg10 : memref<10000xf32, #tpu.memory_space<vmem>>) target_semaphore(%run_scoped3A : memref<!tpu.dma_semaphore, #tpu.memory_space<semaphore_mem>>)
      tpu.wait_dma2 semaphore(%run_scoped3A : memref<!tpu.dma_semaphore, #tpu.memory_space<semaphore_mem>>) src(%arg4 : memref<10000xf32, #tpu.memory_space<hbm>>) dst(%arg10 : memref<10000xf32, #tpu.memory_space<vmem>>)
      tpu.yield
    }) : () -> ()
    %broadcast_in_dim3A = arith.constant 1.000000e+00 : f32
    %broadcast_in_dim3A_3 = vector.broadcast %broadcast_in_dim3A : f32 to vector<16xf32>
    %scan3A = arith.constant 0 : i32
    %scan3A_4 = arith.constant 0 : i32
    %scan3A_5 = arith.constant 125 : i32
    %scan3A_6 = arith.addi %scan3A_4, %scan3A_5 : i32
    %scan3A_7 = arith.constant 1 : i32
    scf.for %scan3A_9 = %scan3A_4 to %scan3A_6 step %scan3A_7  : i32 {
      %mul3A_10 = arith.constant 80 : i32
      %mul3A_11 = arith.muli %scan3A_9, %mul3A_10 : i32
      %add3A_12 = arith.constant 0 : i32
      %add3A_13 = arith.addi %mul3A_11, %add3A_12 : i32
      %get3A = arith.index_cast %add3A_13 : i32 to index
      %get3A_14 = tpu.vector_load %arg7[%get3A] {strides = array<i32>} : memref<10000xi32, #tpu.memory_space<vmem>>, vector<16xi32>,
      %add3A_15 = arith.constant 0 : i32
      %add3A_16 = arith.addi %mul3A_11, %add3A_15 : i32
      %get3A_17 = arith.index_cast %add3A_16 : i32 to index
      %get3A_18 = tpu.vector_load %arg8[%get3A_17] {strides = array<i32>} : memref<10000xi32, #tpu.memory_space<vmem>>, vector<16xi32>,
      tpu.vector_store_idx %arg9[%get3A_14], %broadcast_in_dim3A_3 {add = true} : memref<10000xf32, #tpu.memory_space<vmem>>[vector<16xi32>], vector<16xf32>,
      tpu.vector_store_idx %arg10[%get3A_18], %broadcast_in_dim3A_3 {add = true} : memref<10000xf32, #tpu.memory_space<vmem>>[vector<16xi32>], vector<16xf32>,
      %add3A_19 = arith.constant 16 : i32
      %add3A_20 = arith.addi %mul3A_11, %add3A_19 : i32
      %get3A_21 = arith.index_cast %add3A_20 : i32 to index
      %get3A_22 = tpu.vector_load %arg7[%get3A_21] {strides = array<i32>} : memref<10000xi32, #tpu.memory_space<vmem>>, vector<16xi32>,
      %add3A_23 = arith.constant 16 : i32
      %add3A_24 = arith.addi %mul3A_11, %add3A_23 : i32
      %get3A_25 = arith.index_cast %add3A_24 : i32 to index
      %get3A_26 = tpu.vector_load %arg8[%get3A_25] {strides = array<i32>} : memref<10000xi32, #tpu.memory_space<vmem>>, vector<16xi32>,
      tpu.vector_store_idx %arg9[%get3A_22], %broadcast_in_dim3A_3 {add = true} : memref<10000xf32, #tpu.memory_space<vmem>>[vector<16xi32>], vector<16xf32>,
      tpu.vector_store_idx %arg10[%get3A_26], %broadcast_in_dim3A_3 {add = true} : memref<10000xf32, #tpu.memory_space<vmem>>[vector<16xi32>], vector<16xf32>,
      %add3A_27 = arith.constant 32 : i32
      %add3A_28 = arith.addi %mul3A_11, %add3A_27 : i32
      %get3A_29 = arith.index_cast %add3A_28 : i32 to index
      %get3A_30 = tpu.vector_load %arg7[%get3A_29] {strides = array<i32>} : memref<10000xi32, #tpu.memory_space<vmem>>, vector<16xi32>,
      %add3A_31 = arith.constant 32 : i32
      %add3A_32 = arith.addi %mul3A_11, %add3A_31 : i32
      %get3A_33 = arith.index_cast %add3A_32 : i32 to index
      %get3A_34 = tpu.vector_load %arg8[%get3A_33] {strides = array<i32>} : memref<10000xi32, #tpu.memory_space<vmem>>, vector<16xi32>,
      tpu.vector_store_idx %arg9[%get3A_30], %broadcast_in_dim3A_3 {add = true} : memref<10000xf32, #tpu.memory_space<vmem>>[vector<16xi32>], vector<16xf32>,
      tpu.vector_store_idx %arg10[%get3A_34], %broadcast_in_dim3A_3 {add = true} : memref<10000xf32, #tpu.memory_space<vmem>>[vector<16xi32>], vector<16xf32>,
      %add3A_35 = arith.constant 48 : i32
      %add3A_36 = arith.addi %mul3A_11, %add3A_35 : i32
      %get3A_37 = arith.index_cast %add3A_36 : i32 to index
      %get3A_38 = tpu.vector_load %arg7[%get3A_37] {strides = array<i32>} : memref<10000xi32, #tpu.memory_space<vmem>>, vector<16xi32>,
      %add3A_39 = arith.constant 48 : i32
      %add3A_40 = arith.addi %mul3A_11, %add3A_39 : i32
      %get3A_41 = arith.index_cast %add3A_40 : i32 to index
      %get3A_42 = tpu.vector_load %arg8[%get3A_41] {strides = array<i32>} : memref<10000xi32, #tpu.memory_space<vmem>>, vector<16xi32>,
      tpu.vector_store_idx %arg9[%get3A_38], %broadcast_in_dim3A_3 {add = true} : memref<10000xf32, #tpu.memory_space<vmem>>[vector<16xi32>], vector<16xf32>,
      tpu.vector_store_idx %arg10[%get3A_42], %broadcast_in_dim3A_3 {add = true} : memref<10000xf32, #tpu.memory_space<vmem>>[vector<16xi32>], vector<16xf32>,
      %add3A_43 = arith.constant 64 : i32
      %add3A_44 = arith.addi %mul3A_11, %add3A_43 : i32
      %get3A_45 = arith.index_cast %add3A_44 : i32 to index
      %get3A_46 = tpu.vector_load %arg7[%get3A_45] {strides = array<i32>} : memref<10000xi32, #tpu.memory_space<vmem>>, vector<16xi32>,
      %add3A_47 = arith.constant 64 : i32
      %add3A_48 = arith.addi %mul3A_11, %add3A_47 : i32
      %get3A_49 = arith.index_cast %add3A_48 : i32 to index
      %get3A_50 = tpu.vector_load %arg8[%get3A_49] {strides = array<i32>} : memref<10000xi32, #tpu.memory_space<vmem>>, vector<16xi32>,
      tpu.vector_store_idx %arg9[%get3A_46], %broadcast_in_dim3A_3 {add = true} : memref<10000xf32, #tpu.memory_space<vmem>>[vector<16xi32>], vector<16xf32>,
      tpu.vector_store_idx %arg10[%get3A_50], %broadcast_in_dim3A_3 {add = true} : memref<10000xf32, #tpu.memory_space<vmem>>[vector<16xi32>], vector<16xf32>,
    }
    %scan3A_8 = arith.constant 125 : i32
    "tpu.region"() ({
      %run_scoped3A = tpu.sem_alloc : memref<!tpu.dma_semaphore, #tpu.memory_space<semaphore_mem>>
      %dma_start3A = arith.constant 0 : i32
      %dma_start3A_9 = tpu.memref_slice %arg5[%add3A, %dma_start3A] : memref<32x10000xf32, #tpu.memory_space<hbm>> -> memref<1x10000xf32, #tpu.memory_space<hbm>>
      %dma_start3A_10 = tpu.memref_squeeze %dma_start3A_9 : memref<1x10000xf32, #tpu.memory_space<hbm>> -> memref<10000xf32, #tpu.memory_space<hbm>>
      %dma_start3A_11 = arith.constant 0 : i32
      %dma_start3A_12 = tpu.memref_slice %arg5[%add3A, %dma_start3A_11] : memref<32x10000xf32, #tpu.memory_space<hbm>> -> memref<1x10000xf32, #tpu.memory_space<hbm>>
      %dma_start3A_13 = tpu.memref_squeeze %dma_start3A_12 : memref<1x10000xf32, #tpu.memory_space<hbm>> -> memref<10000xf32, #tpu.memory_space<hbm>>
      tpu.enqueue_dma source(%arg9 : memref<10000xf32, #tpu.memory_space<vmem>>) target(%dma_start3A_13 : memref<10000xf32, #tpu.memory_space<hbm>>) target_semaphore(%run_scoped3A : memref<!tpu.dma_semaphore, #tpu.memory_space<semaphore_mem>>)
      %dma_wait3A = arith.constant 0 : i32
      %dma_wait3A_14 = tpu.memref_slice %arg5[%add3A, %dma_wait3A] : memref<32x10000xf32, #tpu.memory_space<hbm>> -> memref<1x10000xf32, #tpu.memory_space<hbm>>
      %dma_wait3A_15 = tpu.memref_squeeze %dma_wait3A_14 : memref<1x10000xf32, #tpu.memory_space<hbm>> -> memref<10000xf32, #tpu.memory_space<hbm>>
      %dma_wait3A_16 = arith.constant 0 : i32
      %dma_wait3A_17 = tpu.memref_slice %arg5[%add3A, %dma_wait3A_16] : memref<32x10000xf32, #tpu.memory_space<hbm>> -> memref<1x10000xf32, #tpu.memory_space<hbm>>
      %dma_wait3A_18 = tpu.memref_squeeze %dma_wait3A_17 : memref<1x10000xf32, #tpu.memory_space<hbm>> -> memref<10000xf32, #tpu.memory_space<hbm>>
      tpu.wait_dma2 semaphore(%run_scoped3A : memref<!tpu.dma_semaphore, #tpu.memory_space<semaphore_mem>>) src(%arg9 : memref<10000xf32, #tpu.memory_space<vmem>>) dst(%dma_wait3A_18 : memref<10000xf32, #tpu.memory_space<hbm>>)
      tpu.yield
    }) : () -> ()
    "tpu.region"() ({
      %run_scoped3A = tpu.sem_alloc : memref<!tpu.dma_semaphore, #tpu.memory_space<semaphore_mem>>
      %dma_start3A = arith.constant 0 : i32
      %dma_start3A_9 = tpu.memref_slice %arg6[%add3A, %dma_start3A] : memref<32x10000xf32, #tpu.memory_space<hbm>> -> memref<1x10000xf32, #tpu.memory_space<hbm>>
      %dma_start3A_10 = tpu.memref_squeeze %dma_start3A_9 : memref<1x10000xf32, #tpu.memory_space<hbm>> -> memref<10000xf32, #tpu.memory_space<hbm>>
      %dma_start3A_11 = arith.constant 0 : i32
      %dma_start3A_12 = tpu.memref_slice %arg6[%add3A, %dma_start3A_11] : memref<32x10000xf32, #tpu.memory_space<hbm>> -> memref<1x10000xf32, #tpu.memory_space<hbm>>
      %dma_start3A_13 = tpu.memref_squeeze %dma_start3A_12 : memref<1x10000xf32, #tpu.memory_space<hbm>> -> memref<10000xf32, #tpu.memory_space<hbm>>
      tpu.enqueue_dma source(%arg10 : memref<10000xf32, #tpu.memory_space<vmem>>) target(%dma_start3A_13 : memref<10000xf32, #tpu.memory_space<hbm>>) target_semaphore(%run_scoped3A : memref<!tpu.dma_semaphore, #tpu.memory_space<semaphore_mem>>)
      %dma_wait3A = arith.constant 0 : i32
      %dma_wait3A_14 = tpu.memref_slice %arg6[%add3A, %dma_wait3A] : memref<32x10000xf32, #tpu.memory_space<hbm>> -> memref<1x10000xf32, #tpu.memory_space<hbm>>
      %dma_wait3A_15 = tpu.memref_squeeze %dma_wait3A_14 : memref<1x10000xf32, #tpu.memory_space<hbm>> -> memref<10000xf32, #tpu.memory_space<hbm>>
      %dma_wait3A_16 = arith.constant 0 : i32
      %dma_wait3A_17 = tpu.memref_slice %arg6[%add3A, %dma_wait3A_16] : memref<32x10000xf32, #tpu.memory_space<hbm>> -> memref<1x10000xf32, #tpu.memory_space<hbm>>
      %dma_wait3A_18 = tpu.memref_squeeze %dma_wait3A_17 : memref<1x10000xf32, #tpu.memory_space<hbm>> -> memref<10000xf32, #tpu.memory_space<hbm>>
      tpu.wait_dma2 semaphore(%run_scoped3A : memref<!tpu.dma_semaphore, #tpu.memory_space<semaphore_mem>>) src(%arg10 : memref<10000xf32, #tpu.memory_space<vmem>>) dst(%dma_wait3A_18 : memref<10000xf32, #tpu.memory_space<hbm>>)
      tpu.yield
    }) : () -> ()
    return
  }
}

module attributes {stable_mosaic.version = 14 : i64} {
  func.func @body(%arg0: memref<10000x128xf32, #tpu.memory_space<vmem>>, %arg1: memref<128x32xf32, #tpu.memory_space<vmem>>, %arg2: memref<10000x1xf32, #tpu.memory_space<vmem>>, %arg3: memref<10000x32xi32, #tpu.memory_space<vmem>>) attributes {dimension_semantics = [], scalar_prefetch = 0 : i64, scratch_operands = 0 : i64, tpu.core_type = #tpu.core_type<tc>} {
    %get3A = arith.constant 0 : index
    %get3A_0 = arith.constant 0 : index
    %get3A_1 = vector.load %arg0[%get3A, %get3A_0] : memref<10000x128xf32, #tpu.memory_space<vmem>>, vector<10000x128xf32>
    %get3A_2 = arith.constant 0 : index
    %get3A_3 = arith.constant 0 : index
    %get3A_4 = vector.load %arg1[%get3A_2, %get3A_3] : memref<128x32xf32, #tpu.memory_space<vmem>>, vector<128x32xf32>
    %dot_general3A = arith.constant dense<0.000000e+00> : vector<10000x32xf32>
    %dot_general3A_5 = tpu.matmul %get3A_1, %get3A_4, %dot_general3A {dimension_numbers = #tpu.dot_dimension_numbers<[1], [0], [0], [1], [0, 0, 1, 1], [], []>, transpose_lhs_hint = false} : vector<10000x128xf32>, vector<128x32xf32>, vector<10000x32xf32> -> vector<10000x32xf32>
    %get3A_6 = arith.constant 0 : index
    %get3A_7 = arith.constant 0 : index
    %get3A_8 = vector.load %arg2[%get3A_6, %get3A_7] : memref<10000x1xf32, #tpu.memory_space<vmem>>, vector<10000x1xf32>
    %max3A = arith.constant 1.000000e+00 : f32
    %max3A_9 = vector.broadcast %max3A : f32 to vector<10000x1xf32>
    %max3A_10 = arith.maximumf %get3A_8, %max3A_9 : vector<10000x1xf32>
    %rsqrt3A = math.rsqrt %max3A_10 : vector<10000x1xf32>
    %mul3A = vector.broadcast %rsqrt3A : vector<10000x1xf32> to vector<10000x32xf32>
    %mul3A_11 = arith.mulf %dot_general3A_5, %mul3A : vector<10000x32xf32>
    %tanh3A = math.tanh %mul3A_11 : vector<10000x32xf32>
    %abs3A = math.absf %tanh3A : vector<10000x32xf32>
    %log3A = math.log %abs3A : vector<10000x32xf32>
    %max3A_12 = arith.constant -3.000000e+01 : f32
    %max3A_13 = vector.broadcast %max3A_12 : f32 to vector<10000x32xf32>
    %max3A_14 = arith.maximumf %log3A, %max3A_13 : vector<10000x32xf32>
    %mul3A_15 = arith.constant 1.024000e+03 : f32
    %mul3A_16 = vector.broadcast %mul3A_15 : f32 to vector<10000x32xf32>
    %mul3A_17 = arith.mulf %max3A_14, %mul3A_16 : vector<10000x32xf32>
    %round3A = math.roundeven %mul3A_17 : vector<10000x32xf32>
    %convert_element_type3A = arith.fptosi %round3A : vector<10000x32xf32> to vector<10000x32xi32>
    %mul3A_18 = arith.constant 256 : i32
    %mul3A_19 = vector.broadcast %mul3A_18 : i32 to vector<10000x32xi32>
    %mul3A_20 = arith.muli %convert_element_type3A, %mul3A_19 : vector<10000x32xi32>
    %lt3A = arith.constant 0.000000e+00 : f32
    %lt3A_21 = vector.broadcast %lt3A : f32 to vector<10000x32xf32>
    %lt3A_22 = arith.cmpf olt, %tanh3A, %lt3A_21 : vector<10000x32xf32>
    %convert_element_type3A_23 = arith.extui %lt3A_22 : vector<10000x32xi1> to vector<10000x32xi32>
    %add3A = arith.addi %mul3A_20, %convert_element_type3A_23 : vector<10000x32xi32>
    %swap3A = arith.constant 0 : index
    %swap3A_24 = arith.constant 0 : index
    %swap3A_25 = vector.load %arg3[%swap3A, %swap3A_24] : memref<10000x32xi32, #tpu.memory_space<vmem>>, vector<10000x32xi32>
    tpu.vector_store %arg3[%swap3A, %swap3A_24], %add3A {strides = array<i32>} : memref<10000x32xi32, #tpu.memory_space<vmem>>, vector<10000x32xi32>,
    return
  }
}

module attributes {stable_mosaic.version = 14 : i64} {
  func.func @body(%arg0: memref<2x10240x32xi32, #tpu.memory_space<vmem>>, %arg1: memref<10000x1xf32, #tpu.memory_space<vmem>>, %arg2: memref<32x64xf32, #tpu.memory_space<vmem>>, %arg3: memref<10000x64xf32, #tpu.memory_space<vmem>>) attributes {dimension_semantics = [], scalar_prefetch = 0 : i64, scratch_operands = 0 : i64, tpu.core_type = #tpu.core_type<tc>} {
    %get3A = arith.constant 0 : index
    %get3A_0 = arith.constant 0 : index
    %get3A_1 = arith.constant 0 : index
    %get3A_2 = vector.load %arg0[%get3A, %get3A_0, %get3A_1] : memref<2x10240x32xi32, #tpu.memory_space<vmem>>, vector<1x10000x32xi32>
    %get3A_3 = vector.shape_cast %get3A_2 : vector<1x10000x32xi32> to vector<10000x32xi32>
    %get3A_4 = arith.constant 1 : index
    %get3A_5 = arith.constant 0 : index
    %get3A_6 = arith.constant 0 : index
    %get3A_7 = vector.load %arg0[%get3A_4, %get3A_5, %get3A_6] : memref<2x10240x32xi32, #tpu.memory_space<vmem>>, vector<1x10000x32xi32>
    %get3A_8 = vector.shape_cast %get3A_7 : vector<1x10000x32xi32> to vector<10000x32xi32>
    %add3A = arith.addi %get3A_3, %get3A_8 : vector<10000x32xi32>
    %and3A = arith.constant 255 : i32
    %and3A_9 = vector.broadcast %and3A : i32 to vector<10000x32xi32>
    %and3A_10 = arith.andi %add3A, %and3A_9 : vector<10000x32xi32>
    %sub3A = arith.subi %add3A, %and3A_10 : vector<10000x32xi32>
    %shift_right_arithmetic3A = arith.constant 8 : i32
    %shift_right_arithmetic3A_11 = vector.broadcast %shift_right_arithmetic3A : i32 to vector<10000x32xi32>
    %shift_right_arithmetic3A_12 = arith.shrsi %sub3A, %shift_right_arithmetic3A_11 : vector<10000x32xi32>
    %convert_element_type3A = arith.sitofp %shift_right_arithmetic3A_12 : vector<10000x32xi32> to vector<10000x32xf32>
    %mul3A = arith.constant 9.765625E-4 : f32
    %mul3A_13 = vector.broadcast %mul3A : f32 to vector<10000x32xf32>
    %mul3A_14 = arith.mulf %convert_element_type3A, %mul3A_13 : vector<10000x32xf32>
    %and3A_15 = arith.constant 1 : i32
    %and3A_16 = vector.broadcast %and3A_15 : i32 to vector<10000x32xi32>
    %and3A_17 = arith.andi %and3A_10, %and3A_16 : vector<10000x32xi32>
    %convert_element_type3A_18 = arith.sitofp %and3A_17 : vector<10000x32xi32> to vector<10000x32xf32>
    %mul3A_19 = arith.constant 2.000000e+00 : f32
    %mul3A_20 = vector.broadcast %mul3A_19 : f32 to vector<10000x32xf32>
    %mul3A_21 = arith.mulf %mul3A_20, %convert_element_type3A_18 : vector<10000x32xf32>
    %sub3A_22 = arith.constant 1.000000e+00 : f32
    %sub3A_23 = vector.broadcast %sub3A_22 : f32 to vector<10000x32xf32>
    %sub3A_24 = arith.subf %sub3A_23, %mul3A_21 : vector<10000x32xf32>
    %exp3A = math.exp %mul3A_14 : vector<10000x32xf32>
    %mul3A_25 = arith.mulf %sub3A_24, %exp3A : vector<10000x32xf32>
    %get3A_26 = arith.constant 0 : index
    %get3A_27 = arith.constant 0 : index
    %get3A_28 = vector.load %arg1[%get3A_26, %get3A_27] : memref<10000x1xf32, #tpu.memory_space<vmem>>, vector<10000x1xf32>
    %gt3A = arith.constant 0.000000e+00 : f32
    %gt3A_29 = vector.broadcast %gt3A : f32 to vector<10000x1xf32>
    %gt3A_30 = arith.cmpf ogt, %get3A_28, %gt3A_29 : vector<10000x1xf32>
    %jit3A = arith.constant 0.000000e+00 : f32
    %broadcast_in_dim3A = vector.shape_cast %gt3A_30 : vector<10000x1xi1> to vector<10000x1xi1>
    %broadcast_in_dim3A_31 = vector.broadcast %broadcast_in_dim3A : vector<10000x1xi1> to vector<10000x32xi1>
    %broadcast_in_dim3A_32 = vector.broadcast %jit3A : f32 to vector<10000x32xf32>
    %select_n3A = arith.select %broadcast_in_dim3A_31, %mul3A_25, %broadcast_in_dim3A_32 : vector<10000x32xi1>, vector<10000x32xf32>
    %max3A = arith.constant 1.000000e+00 : f32
    %max3A_33 = vector.broadcast %max3A : f32 to vector<10000x1xf32>
    %max3A_34 = arith.maximumf %get3A_28, %max3A_33 : vector<10000x1xf32>
    %rsqrt3A = math.rsqrt %max3A_34 : vector<10000x1xf32>
    %mul3A_35 = vector.broadcast %rsqrt3A : vector<10000x1xf32> to vector<10000x32xf32>
    %mul3A_36 = arith.mulf %select_n3A, %mul3A_35 : vector<10000x32xf32>
    %get3A_37 = arith.constant 0 : index
    %get3A_38 = arith.constant 0 : index
    %get3A_39 = vector.load %arg2[%get3A_37, %get3A_38] : memref<32x64xf32, #tpu.memory_space<vmem>>, vector<32x64xf32>
    %dot_general3A = arith.constant dense<0.000000e+00> : vector<10000x64xf32>
    %dot_general3A_40 = tpu.matmul %mul3A_36, %get3A_39, %dot_general3A {dimension_numbers = #tpu.dot_dimension_numbers<[1], [0], [0], [1], [0, 0, 1, 1], [], []>, transpose_lhs_hint = false} : vector<10000x32xf32>, vector<32x64xf32>, vector<10000x64xf32> -> vector<10000x64xf32>
    %swap3A = arith.constant 0 : index
    %swap3A_41 = arith.constant 0 : index
    %swap3A_42 = vector.load %arg3[%swap3A, %swap3A_41] : memref<10000x64xf32, #tpu.memory_space<vmem>>, vector<10000x64xf32>
    tpu.vector_store %arg3[%swap3A, %swap3A_41], %dot_general3A_40 {strides = array<i32>} : memref<10000x64xf32, #tpu.memory_space<vmem>>, vector<10000x64xf32>,
    return
  }
}

</mosaic_0001>

<sc_bundles>
// kernel: kernel.6.cloned.1.call-start
scs
__scs_entry_jumppad:
0x0: {  	(pc) =	sbr.rel $0x88, $3  }
0x1: {  	(tag) =	ssettag $0x0;
	lr =	simm.s32 $0x1  }
0x2: {  	[smem:$0x3F9D] =	sst lr;
	_ =	strace $0xD0000000  }
0x3: {  	_ = 	snop  }
0x4: {  	_ = 	snop  }
0x5: {  	_ = 	snop  }
0x6: {  	_ = 	snop  }
0x7: {  	_ = 	snop  }
__scs_overlays_trampoline_lowered:
0x8: {  	[smem:$0x3FAC] =	sst s0  }
0x9: {  	[smem:$0x3FAD] =	sst s1  }
0xa: {  	[smem:$0x3FAE] =	sst s2  }
0xb: {  	[smem:$0x3FAF] =	sst s3  }
0xc: {  	[smem:$0x3FB0] =	sst s4  }
0xd: {  	[smem:$0x3FB1] =	sst s5  }
0xe: {  	[smem:$0x3FB2] =	sst s6  }
0xf: {  	[smem:$0x3FB3] =	sst s7  }
0x10: {  	[smem:$0x3FB4] =	sst s8  }
0x11: {  	[smem:$0x3FB5] =	sst s9;
	s0 =	simm.s32 @!p0 $0x0  }
0x12: {  	s1 =	sld [smem:$0x3F9B];
	s0 =	simm.s32 @p0 $0x1  }
0x13: {  	[smem:$0x3FB6] =	sst s0;
	s0 =	simm.s32 @!p1 $0x0  }
0x14: {  	s2 =	sld [smem:$0x3F9A];
	s0 =	simm.s32 @p1 $0x1  }
0x15: {  	[smem:$0x3FB7] =	sst s0;
	s0 =	simm.s32 @!p2 $0x0  }
0x16: {  	s3 =	sld [smem:$0x3FDB];
	s0 =	simm.s32 @p2 $0x1  }
0x17: {  	s4 =	simm.s32 $0x1BF5;
	[smem:$0x3FB9] =	sst s0  }
0x18: {  	s0 =	sld [smem:$0x3F9C];
	_ =	swait.ge [sflag:s4], $0x0  }
0x19: {  	s7 =	sld [smem:$0x3F9D]  }
0x1a: {  	s8 =	sadd.s32 $0xFFFFE003, lr  }
0x1b: {  	s9 =	sadd.s32 $0xFFFFFEF7, lr;
	s5 =	simm.s32 $0xFFFFFFFF;
	p2 =	slt.u32 s8, $0xFFFFF086  }
0x1c: {  	p1 =	slt.u32 s9, $0xF7A;
	s5 =	simm.s32 @!p2 $0x0  }
0x1d: {  	s5 =	simm.s32 @p1 $0x1;
	p0 =	seq.s32 s7, s2  }
0x1e: {  	s7 =	smul.u32 @!p0 $0xF7A, s2;
	p2 =	seq.s32 @!p0 s5, $0x0  }
0x1f: {  	s9 =	smul.u32 $0xF7A, s1;
	s8 =	simm.s32 @!p0 $0x1BF5;
	p2 =	por !p2, p0  }
0x20: {  	[sflag:s8] =	ssyncset.s32 @!p0 $0xFFFFF086;
	s6 =	sadd.s32 @!p0 s3, s7;
	s7 =	simm.s32 @!p0 $0x108  }
0x21: {  	s3 =	sadd.s32 s3, s9;
	s6 =	sadd.s32 @!p0 $0x88, s6;
	s7 =	simm.s32 @p2 $0x1082  }
0x22: {  	[simem:s7], [sflag:s8] =	dma.local @!p0 [hbm:s6], $0xF7A  }
0x23: {  	s9 =	sor.u32 $0xD0000000, s2;
	s6 =	simm.s32 $0x108;
	_ =	swait.ge @!p0 [sflag:s8], $0x0  }
0x24: {  	s3 =	sadd.s32 $0x88, s3;
	s6 =	simm.s32 @!p1 $0x1082;
	[sflag:s4] =	ssyncset.s32 $0xFFFFF086  }
0x25: {  	[simem:s6], [sflag:s4] =	dma.local [hbm:s3], $0xF7A  }
0x26: {  	[smem:$0x3F9D] =	sst s1;
	(tag) =	ssettag s2;
	_ =	strace s9  }
0x27: {  	s1 =	sld [smem:$0x3FAD]  }
0x28: {  	s2 =	sld [smem:$0x3FAE]  }
0x29: {  	s4 =	sld [smem:$0x3FB0]  }
0x2a: {  	p0 =	seq.s32 s5, $0x0;
	s5 =	sld [smem:$0x3FB1]  }
0x2b: {  	s6 =	sld [smem:$0x3FB2]  }
0x2c: {  	s7 =	sld [smem:$0x3FB3]  }
0x2d: {  	s3 =	simm.s32 $0x108;
	s8 =	sld [smem:$0x3FB4]  }
0x2e: {  	s3 =	simm.s32 @!p0 $0x1082;
	s9 =	sld [smem:$0x3FB5]  }
0x2f: {  	lr =	sadd.s32 s0, s3;
	s0 =	sld [smem:$0x3FAC]  }
0x30: {  	s3 =	sld [smem:$0x3FAF]  }
0x31: {  	[smem:$0x3FB8] =	sst s10  }
0x32: {  	s10 =	sld [smem:$0x3FB6];
	_ =	sdelay $0x3  }
0x33: {  	p0 =	seq.s32 s10, $0x1;
	s10 =	sld [smem:$0x3FB8];
	_ =	sdelay $0x3  }
0x34: {  	[smem:$0x3FB8] =	sst s10  }
0x35: {  	s10 =	sld [smem:$0x3FB7];
	_ =	sdelay $0x3  }
0x36: {  	p1 =	seq.s32 s10, $0x1;
	s10 =	sld [smem:$0x3FB8];
	_ =	sdelay $0x3  }
0x37: {  	[smem:$0x3FB8] =	sst s10  }
0x38: {  	s10 =	sld [smem:$0x3FB9]  }
0x39: {  	_ = 	snop;
	(pc) =	sbr.ind lr, $3  }
0x3a: {  	_ = 	snop  }
0x3b: {  	_ = 	snop  }
0x3c: {  	p2 =	seq.s32 s10, $0x1;
	s10 =	sld [smem:$0x3FB8]  }
0x3d: {  	_ =	shalt  }
0x3e: {  	_ =	shalt  }
0x3f: {  	_ =	shalt  }
0x40: {  	_ =	shalt  }
0x41: {  	_ =	shalt  }
0x42: {  	_ =	shalt  }
0x43: {  	_ =	shalt  }
0x44: {  	_ =	shalt  }
0x45: {  	_ =	shalt  }
0x46: {  	_ =	shalt  }
0x47: {  	_ =	shalt  }
0x48: {  	_ =	shalt  }
0x49: {  	_ =	shalt  }
0x4a: {  	_ =	shalt  }
0x4b: {  	_ =	shalt  }
0x4c: {  	_ =	shalt  }
0x4d: {  	_ =	shalt  }
0x4e: {  	_ =	shalt  }
0x4f: {  	_ =	shalt  }
0x50: {  	_ =	shalt  }
0x51: {  	_ =	shalt  }
0x52: {  	_ =	shalt  }
0x53: {  	_ =	shalt  }
0x54: {  	_ =	shalt  }
0x55: {  	_ =	shalt  }
0x56: {  	_ =	shalt  }
0x57: {  	_ =	shalt  }
0x58: {  	_ =	shalt  }
0x59: {  	_ =	shalt  }
0x5a: {  	_ =	shalt  }
0x5b: {  	_ =	shalt  }
0x5c: {  	_ =	shalt  }
0x5d: {  	_ =	shalt  }
0x5e: {  	_ =	shalt  }
0x5f: {  	_ =	shalt  }
0x60: {  	_ =	shalt  }
0x61: {  	_ =	shalt  }
0x62: {  	_ =	shalt  }
0x63: {  	_ =	shalt  }
0x64: {  	_ =	shalt  }
0x65: {  	_ =	shalt  }
0x66: {  	_ =	shalt  }
0x67: {  	_ =	shalt  }
0x68: {  	_ =	shalt  }
0x69: {  	_ =	shalt  }
0x6a: {  	_ =	shalt  }
0x6b: {  	_ =	shalt  }
0x6c: {  	_ =	shalt  }
0x6d: {  	_ =	shalt  }
0x6e: {  	_ =	shalt  }
0x6f: {  	_ =	shalt  }
0x70: {  	_ =	shalt  }
0x71: {  	_ =	shalt  }
0x72: {  	_ =	shalt  }
0x73: {  	_ =	shalt  }
0x74: {  	_ =	shalt  }
0x75: {  	_ =	shalt  }
0x76: {  	_ =	shalt  }
0x77: {  	_ =	shalt  }
0x78: {  	_ =	shalt  }
0x79: {  	_ =	shalt  }
0x7a: {  	_ =	shalt  }
0x7b: {  	_ =	shalt  }
0x7c: {  	_ =	shalt  }
0x7d: {  	_ =	shalt  }
0x7e: {  	_ =	shalt  }
0x7f: {  	_ =	shalt  }
0x80: {  	_ =	shalt  }
0x81: {  	_ =	shalt  }
0x82: {  	_ =	shalt  }
0x83: {  	_ =	shalt  }
0x84: {  	_ =	shalt  }
0x85: {  	_ =	shalt  }
0x86: {  	_ =	shalt  }
0x87: {  	_ =	shalt  }
.Lfunc_end0:
.L_simem_size_0:
called_computation_lowered:
.L_overlay_start_0:
0x88: {  	s2 =	sld [smem:$0x3FD9]  }
0x89: {  	s3 =	sld [smem:$0x3FFE];
	_ =	sdelay $0x1  }
0x8a: {  	s1 =	srdreg.scid  }
0x8b: {  	s0 =	sand.u32 $0x1, s1  }
0x8c: {  	s16 =	sshll.u32 s0, $0xA;
	s2 =	sadd.s32 s3, s2  }
0x8d: {  	s2 =	sadd.s32 s2, s16  }
0x8e: {  	[smem:$0x3FC4] =	sst s2  }
0x8f: {  	_ = 	snop  }
0x90: {  	(tm) =	ssettm $0x1  }
0x91: {  	s17 =	sld [smem:$0x3FFB];
	_ =	sdelay $0x3  }
0x92: {  	_ =	strace s17  }
0x93: {  	s2 =	sld [smem:$0x3FFC];
	_ =	sdelay $0x3  }
0x94: {  	_ =	strace s2  }
0x95: {  	s2 =	sld [smem:$0x3FFD];
	_ =	sdelay $0x3  }
0x96: {  	_ =	strace s2  }
0x97: {  	_ =	strace $0x8FFFFFFF  }
0x98: {  	s18 =	sld [smem:$0x3FDB];
	_ =	sdelay $0x1  }
0x99: {  	s19 =	simm.s32 $_scs_section_size  }
0x9a: {  	s4 =	simm.s32 $_size__tile_overlayer_lowered;
	s5 =	simm.s32 $_tile_overlayer_lowered  }
0x9b: {  	s22 =	simm.s32 $0x1BFF;
	s21 =	sshll.u32 s5, $0x1;
	s2 =	sadd.s32 s19, s18  }
0x9c: {  	s6 =	simm.s32 $0x0;
	s20 =	sshll.u32 s4, $0x1;
	s4 =	sadd.s32 s21, s2  }
0x9d: {  	[timem:s6], [sflag:s22] =	dma.local [hbm:s4], s20  }
0x9e: {  	_ =	swait.ge [sflag:s22], s20  }
0x9f: {  	s3 =	ssub.s32 $0x0, s20;
	[sflag:s22] =	ssyncset.done $0x0  }
0xa0: {  	[sflag:s22] =	ssyncadd.s32 s3;
	_ =	sdelay $0x1  }
0xa1: {  	s23 =	simm.s32 $0x1B8B  }
0xa2: {  	_ =	swait.ge [sflag:s23], $0x1  }
0xa3: {  	[sflag:s23] =	ssyncset.done $0x0  }
0xa4: {  	s25 =	simm.s32 $0x1B8E;
	s24 =	sld [smem:$0x3FFE];
	[sflag:s23] =	ssyncadd.s32 $0xFFFFFFFF  }
0xa5: {  	s26 =	simm.s32 $execute0_lowered;
	[smem:$0x3FD2] =	sst s25  }
0xa6: {  	s4 =	sshll.u32 s26, $0x1;
	_ =	strace $0x80000046;
	[dreg:$0x1] =	wrdreg $0xFFFFFFFF  }
0xa7: {  	s28 =	simm.s32 $_size_execute0_lowered;
	s2 =	sadd.s32 s2, s4;
	[dreg:$0x0] =	wrdreg $0x0  }
0xa8: {  	s4 =	sshll.u32 s28, $0x1;
	[dreg:$0x2] =	wrdreg s2  }
0xa9: {  	[dreg:$0x3] =	wrdreg s4  }
0xaa: {  	[dreg:$0x4] =	wrdreg $0xC0  }
0xab: {  	_ =	task [dreg:s6], $0x5FFFF  }
0xac: {  	[dreg:$0x1] =	wrdreg $0xFFFFFFFF  }
0xad: {  	[dreg:$0x0] =	wrdreg $0x60  }
0xae: {  	[dreg:$0x2] =	wrdreg s24  }
0xaf: {  	[dreg:$0x3] =	wrdreg $0x9  }
0xb0: {  	_ =	task.clear_ibuf [dreg:s6], $0x4FFFF;
	_ =	strace $0x90000046  }
0xb1: {  	s29 =	simm.s32 $0x9;
	_ =	strace $0x80000048  }
0xb2: {  	_ =	swait.ge [sflag:s29], $0x1  }
0xb3: {  	[sflag:s29] =	ssyncadd.s32 $0xFFFFFFFF  }
0xb4: {  	_ =	strace $0x90000048  }
0xb5: {  	_ =	sfence  }
0xb6: {  	s30 =	sld [smem:$0x0];
	_ =	sdelay $0x2  }
0xb7: {  	s31 =	sshll.u32 s1, $0xD;
	s1 =	sshrl.u32 s1, $0x2  }
0xb8: {  	s3 =	sand.u32 $0x4000, s31;
	s1 =	sadd.s32 s1, s30  }
0xb9: {  	s0 =	sor.u32 s3, s0;
	s1 =	sshll.u32 s1, $0x11  }
0xba: {  	s0 =	sor.u32 s1, s0  }
0xbb: {  	s0 =	sadd.s32 $0x8F2B, s0  }
0xbc: {  	[sflag:s0] =	ssyncadd.remote.s32 $0x1  }
0xbd: {  	_ =	sfence.sel $0xFFFF  }
0xbe: {  	[dreg:$0x0] =	wrdreg $0xFFFFFFFF;
	(pc) =	sbr.abs _section_cstart, $3  }
0xbf: {  	[dreg:$0x1] =	wrdreg $0xFFFFFFFF  }
0xc0: {  	_ =	task.clear_ibuf [dreg:s6], $0x2FFFF;
	_ =	strace $0x9FFFFFFF  }
0xc1: {  	(tm) =	ssettm $0x7FFFFFFF  }
tec
execute0_lowered:
.L_overlay_start_1:
0x0: {  	(tag) =	ssettag $0x1  }
0x1: {  	s1 =	srdreg.scid;
	s0 =	stileid.u32  }
0x2: {  	s4 =	rddreg [dreg:$0x0];
	s10 =	simm.s32 $0x2780;
	s11 =	simm.s32 $0x4F00  }
0x3: {  	s12 =	simm.s32 $0x7680;
	s13 =	simm.s32 $0x80;
	s14 =	simm.s32 $0x400  }
0x4: {  	s15 =	simm.s32 $0x0;
	s3 =	sand.u32 $0x1, s1;
	s2 =	sshll.u32 s0, $0x1  }
0x5: {  	s1 =	rddreg [dreg:$0x1];
	s6 =	sshrl.u32 s0, $0x2;
	s5 =	sor.u32 s3, s2  }
0x6: {  	s2 =	simm.s32 $0x0;
	s6 =	smul.u32 $0x13C00, s6;
	s31 =	ssub.s32 $0x2, s3  }
0x7: {  	s3 =	sadd.s32 $0x14600, s4;
	s7 =	sshll.u32 s5, $0x7;
	[smem:$0x7FF] =	sst s2  }
0x8: {  	s5 =	smul.u32 $0x4E2, s5;
	s8 =	sshrl.u32 s31, $0x1;
	s7 =	sand.u32 $0x380, s7  }
0x9: {  	_ =	strace $0x80000047;
	s8 =	ssub.s32 s31, s8;
	s6 =	sor.u32 s6, s7  }
0xa: {  	s5 =	sadd.s32 s5, s4;
	s8 =	smax.u32 s8, $0x1;
	s6 =	sshrl.u32 s6, $0x3  }
0xb: {  	s9 =	sadd.s32 s6, s4;
	s4 =	sadd.s32 $0xA800, s5;
	s5 =	sadd.s32 $0xA00, s5  }
0xc: {  	v0 =	vimm.f32 $1.000000000e+00;
	s6 =	sadd.s32 $0x14C00, s9;
	s7 =	sadd.s32 $0x1EA00, s9;
	s9 =	simm.s32 $0x1  }
.LBB2_1:
0xd: {  	[tilespmem:s2], [sflag:$0x1] =	stream.linear.gather [hbm4b:s4+s2], $0x2710, $0x38;
	[tilespmem:$0x9E00] =	vst v63  }
0xe: {  	_ =	swait.ge [sflag:s9], $0x2710  }
0xf: {  	[sflag:s9] =	ssyncset.done $0x0  }
0x10: {  	[sflag:s9] =	ssyncadd.s32 $0xFFFFD8F0  }
0x11: {  	[tilespmem:s10], [sflag:$0x1] =	stream.linear.gather [hbm4b:s5+s2], $0x2710, $0x38;
	[tilespmem:$0x9E00] =	vst v63  }
0x12: {  	_ =	swait.ge [sflag:s9], $0x2710  }
0x13: {  	[sflag:s9] =	ssyncset.done $0x0  }
0x14: {  	[sflag:s9] =	ssyncadd.s32 $0xFFFFD8F0  }
0x15: {  	[tilespmem:s11], [sflag:$0x1] =	stream.linear.gather [hbm4b:s3+s2], $0x2780, $0x38;
	[tilespmem:$0x9E00] =	vst v63  }
0x16: {  	_ =	swait.ge [sflag:s9], $0x2780  }
0x17: {  	[sflag:s9] =	ssyncset.done $0x0  }
0x18: {  	[sflag:s9] =	ssyncadd.s32 $0xFFFFD880  }
0x19: {  	[tilespmem:s12], [sflag:$0x1] =	stream.linear.gather [hbm4b:s3+s2], $0x2780, $0x38;
	[tilespmem:$0x9E00] =	vst v63  }
0x1a: {  	_ =	swait.ge [sflag:s9], $0x2780  }
0x1b: {  	[sflag:s9] =	ssyncset.done $0x0  }
0x1c: {  	s16 =	simm.s32 $0x0;
	[sflag:s9] =	ssyncadd.s32 $0xFFFFD880  }
.LBB2_2:
0x1d: {  	s17 =	sshra.s32 s16, $0x2  }
0x1e: {  	v1 =	vld [tilespmem:s17+$0x0]  }
0x1f: {  	v2 =	vld [tilespmem:s17+$0x2780];
	_ =	sdelay $0x6  }
0x20: {  	[tilespmem:v1+s11+$0x0] =	vst.idx.add.f32.msk $0xffff, v0  }
0x21: {  	[tilespmem:v2+s12+$0x0] =	vst.idx.add.f32.msk $0xffff, v0  }
0x22: {  	v1 =	vld [tilespmem:s17+$0x10]  }
0x23: {  	v2 =	vld [tilespmem:s17+$0x2790];
	_ =	sdelay $0x6  }
0x24: {  	[tilespmem:v1+s11+$0x0] =	vst.idx.add.f32.msk $0xffff, v0  }
0x25: {  	[tilespmem:v2+s12+$0x0] =	vst.idx.add.f32.msk $0xffff, v0  }
0x26: {  	v1 =	vld [tilespmem:s17+$0x20]  }
0x27: {  	v2 =	vld [tilespmem:s17+$0x27A0];
	_ =	sdelay $0x6  }
0x28: {  	[tilespmem:v1+s11+$0x0] =	vst.idx.add.f32.msk $0xffff, v0  }
0x29: {  	[tilespmem:v2+s12+$0x0] =	vst.idx.add.f32.msk $0xffff, v0  }
0x2a: {  	v1 =	vld [tilespmem:s17+$0x30]  }
0x2b: {  	v2 =	vld [tilespmem:s17+$0x27B0];
	_ =	sdelay $0x6  }
0x2c: {  	[tilespmem:v1+s11+$0x0] =	vst.idx.add.f32.msk $0xffff, v0  }
0x2d: {  	[tilespmem:v2+s12+$0x0] =	vst.idx.add.f32.msk $0xffff, v0  }
0x2e: {  	v1 =	vld [tilespmem:s17+$0x40]  }
0x2f: {  	v2 =	vld [tilespmem:s17+$0x27C0];
	_ =	sdelay $0x2  }
0x30: {  	p0 =	sne.s32 s16, $0x9B00  }
.Ltmp0:
0x31: {  	_ = 	snop;
	(pc) =	sbr.rel @p0 .LBB2_2-.Ltmp0, $3  }
0x32: {  	_ =	sdelay $0x1  }
0x33: {  	[tilespmem:v1+s11+$0x0] =	vst.idx.add.f32.msk $0xffff, v0  }
0x34: {  	s16 =	sadd.s32 $0x140, s16;
	[tilespmem:v2+s12+$0x0] =	vst.idx.add.f32.msk $0xffff, v0  }
0x35: {  	[hbm4b:s6+s13] =	stream.strided.scatter [tilespmem:s11], [sflag:$0x1], $0x2780, s14, s13, $0x38;
	[tilespmem:$0x9E00] =	vst v63  }
0x36: {  	s15 =	sadd.s32 $0x1, s15;
	_ =	swait.ge [sflag:s9], $0x2780  }
0x37: {  	p0 =	sne.s32 s15, s8;
	[sflag:s9] =	ssyncset.done $0x0  }
.Ltmp1:
0x38: {  	[sflag:s9] =	ssyncadd.s32 $0xFFFFD880;
	(pc) =	sbr.rel @p0 .LBB2_1-.Ltmp1, $4  }
0x39: {  	[hbm4b:s7+s13] =	stream.strided.scatter [tilespmem:s12], [sflag:$0x1], $0x2780, s14, s13, $0x38;
	[tilespmem:$0x9E00] =	vst v63  }
0x3a: {  	_ =	swait.ge [sflag:s9], $0x2780  }
0x3b: {  	[sflag:s9] =	ssyncset.done $0x0  }
0x3c: {  	[sflag:s9] =	ssyncadd.s32 $0xFFFFD880  }
0x3d: {  	_ =	sfence.sel $0x180000  }
0x3e: {  	[bflag:$0x0] =	sbarrier.arrive $0xFFFF  }
0x3f: {  	p0 =	sne.s32 s0, $0x0;
	_ =	strace $0x90000047  }
0x40: {  	s0 =	sadd.s32 @!p0 $0x100000, s1;
	[bflag:$0x2] =	sbarrier.arrive $0xFFFF  }
0x41: {  	[sflag:s0] =	ssyncadd.tile.s32 @!p0 $0x1;
	_ =	shalt  }
.Lfunc_end2:
_tile_overlayer_lowered:
.L_overlay_start_2:
0x42: {  	(tag) =	ssettag $0x2  }
0x43: {  	s0 =	rddreg [dreg:$0x0];
	s2 =	stileid.u32  }
0x44: {  	s1 =	rddreg [dreg:$0x1];
	p0 =	sne.s32 s2, $0x0  }
0x45: {  	s3 =	rddreg [dreg:$0x2];
	[bflag:$0x3] =	sbarrier.arrive $0xFFFF;
	s2 =	simm.s32 @!p0 $0x1C01  }
0x46: {  	[timem:s3], [sflag:s2] =	dma.local @!p0 [hbm:s0], s1  }
0x47: {  	s0 =	simm.s32 @!p0 $0x1  }
0x48: {  	_ =	swait.ge @!p0 [sflag:s0], s1  }
0x49: {  	s1 =	ssub.s32 @!p0 $0x0, s1;
	[sflag:s0] =	ssyncset.done @!p0 $0x0  }
0x4a: {  	[sflag:s0] =	ssyncadd.s32 @!p0 s1  }
0x4b: {  	[bflag:$0x3] =	sbarrier.arrive $0xFFFF  }
0x4c: {  	_ =	shalt  }

// kernel: kernel.9.cloned.1.call-start
scs
__scs_entry_jumppad:
0x0: {  	(pc) =	sbr.rel $0x88, $3  }
0x1: {  	(tag) =	ssettag $0x0;
	lr =	simm.s32 $0x1  }
0x2: {  	[smem:$0x3F9D] =	sst lr;
	_ =	strace $0xD0000000  }
0x3: {  	_ = 	snop  }
0x4: {  	_ = 	snop  }
0x5: {  	_ = 	snop  }
0x6: {  	_ = 	snop  }
0x7: {  	_ = 	snop  }
__scs_overlays_trampoline_lowered:
0x8: {  	[smem:$0x3FAC] =	sst s0  }
0x9: {  	[smem:$0x3FAD] =	sst s1  }
0xa: {  	[smem:$0x3FAE] =	sst s2  }
0xb: {  	[smem:$0x3FAF] =	sst s3  }
0xc: {  	[smem:$0x3FB0] =	sst s4  }
0xd: {  	[smem:$0x3FB1] =	sst s5  }
0xe: {  	[smem:$0x3FB2] =	sst s6  }
0xf: {  	[smem:$0x3FB3] =	sst s7  }
0x10: {  	[smem:$0x3FB4] =	sst s8  }
0x11: {  	[smem:$0x3FB5] =	sst s9;
	s0 =	simm.s32 @!p0 $0x0  }
0x12: {  	s1 =	sld [smem:$0x3F9B];
	s0 =	simm.s32 @p0 $0x1  }
0x13: {  	[smem:$0x3FB6] =	sst s0;
	s0 =	simm.s32 @!p1 $0x0  }
0x14: {  	s2 =	sld [smem:$0x3F9A];
	s0 =	simm.s32 @p1 $0x1  }
0x15: {  	[smem:$0x3FB7] =	sst s0;
	s0 =	simm.s32 @!p2 $0x0  }
0x16: {  	s3 =	sld [smem:$0x3FDB];
	s0 =	simm.s32 @p2 $0x1  }
0x17: {  	s4 =	simm.s32 $0x1BF5;
	[smem:$0x3FB9] =	sst s0  }
0x18: {  	s0 =	sld [smem:$0x3F9C];
	_ =	swait.ge [sflag:s4], $0x0  }
0x19: {  	s7 =	sld [smem:$0x3F9D]  }
0x1a: {  	s8 =	sadd.s32 $0xFFFFE003, lr  }
0x1b: {  	s9 =	sadd.s32 $0xFFFFFEF7, lr;
	s5 =	simm.s32 $0xFFFFFFFF;
	p2 =	slt.u32 s8, $0xFFFFF086  }
0x1c: {  	p1 =	slt.u32 s9, $0xF7A;
	s5 =	simm.s32 @!p2 $0x0  }
0x1d: {  	s5 =	simm.s32 @p1 $0x1;
	p0 =	seq.s32 s7, s2  }
0x1e: {  	s7 =	smul.u32 @!p0 $0xF7A, s2;
	p2 =	seq.s32 @!p0 s5, $0x0  }
0x1f: {  	s9 =	smul.u32 $0xF7A, s1;
	s8 =	simm.s32 @!p0 $0x1BF5;
	p2 =	por !p2, p0  }
0x20: {  	[sflag:s8] =	ssyncset.s32 @!p0 $0xFFFFF086;
	s6 =	sadd.s32 @!p0 s3, s7;
	s7 =	simm.s32 @!p0 $0x108  }
0x21: {  	s3 =	sadd.s32 s3, s9;
	s6 =	sadd.s32 @!p0 $0x88, s6;
	s7 =	simm.s32 @p2 $0x1082  }
0x22: {  	[simem:s7], [sflag:s8] =	dma.local @!p0 [hbm:s6], $0xF7A  }
0x23: {  	s9 =	sor.u32 $0xD0000000, s2;
	s6 =	simm.s32 $0x108;
	_ =	swait.ge @!p0 [sflag:s8], $0x0  }
0x24: {  	s3 =	sadd.s32 $0x88, s3;
	s6 =	simm.s32 @!p1 $0x1082;
	[sflag:s4] =	ssyncset.s32 $0xFFFFF086  }
0x25: {  	[simem:s6], [sflag:s4] =	dma.local [hbm:s3], $0xF7A  }
0x26: {  	[smem:$0x3F9D] =	sst s1;
	(tag) =	ssettag s2;
	_ =	strace s9  }
0x27: {  	s1 =	sld [smem:$0x3FAD]  }
0x28: {  	s2 =	sld [smem:$0x3FAE]  }
0x29: {  	s4 =	sld [smem:$0x3FB0]  }
0x2a: {  	p0 =	seq.s32 s5, $0x0;
	s5 =	sld [smem:$0x3FB1]  }
0x2b: {  	s6 =	sld [smem:$0x3FB2]  }
0x2c: {  	s7 =	sld [smem:$0x3FB3]  }
0x2d: {  	s3 =	simm.s32 $0x108;
	s8 =	sld [smem:$0x3FB4]  }
0x2e: {  	s3 =	simm.s32 @!p0 $0x1082;
	s9 =	sld [smem:$0x3FB5]  }
0x2f: {  	lr =	sadd.s32 s0, s3;
	s0 =	sld [smem:$0x3FAC]  }
0x30: {  	s3 =	sld [smem:$0x3FAF]  }
0x31: {  	[smem:$0x3FB8] =	sst s10  }
0x32: {  	s10 =	sld [smem:$0x3FB6];
	_ =	sdelay $0x3  }
0x33: {  	p0 =	seq.s32 s10, $0x1;
	s10 =	sld [smem:$0x3FB8];
	_ =	sdelay $0x3  }
0x34: {  	[smem:$0x3FB8] =	sst s10  }
0x35: {  	s10 =	sld [smem:$0x3FB7];
	_ =	sdelay $0x3  }
0x36: {  	p1 =	seq.s32 s10, $0x1;
	s10 =	sld [smem:$0x3FB8];
	_ =	sdelay $0x3  }
0x37: {  	[smem:$0x3FB8] =	sst s10  }
0x38: {  	s10 =	sld [smem:$0x3FB9]  }
0x39: {  	_ = 	snop;
	(pc) =	sbr.ind lr, $3  }
0x3a: {  	_ = 	snop  }
0x3b: {  	_ = 	snop  }
0x3c: {  	p2 =	seq.s32 s10, $0x1;
	s10 =	sld [smem:$0x3FB8]  }
0x3d: {  	_ =	shalt  }
0x3e: {  	_ =	shalt  }
0x3f: {  	_ =	shalt  }
0x40: {  	_ =	shalt  }
0x41: {  	_ =	shalt  }
0x42: {  	_ =	shalt  }
0x43: {  	_ =	shalt  }
0x44: {  	_ =	shalt  }
0x45: {  	_ =	shalt  }
0x46: {  	_ =	shalt  }
0x47: {  	_ =	shalt  }
0x48: {  	_ =	shalt  }
0x49: {  	_ =	shalt  }
0x4a: {  	_ =	shalt  }
0x4b: {  	_ =	shalt  }
0x4c: {  	_ =	shalt  }
0x4d: {  	_ =	shalt  }
0x4e: {  	_ =	shalt  }
0x4f: {  	_ =	shalt  }
0x50: {  	_ =	shalt  }
0x51: {  	_ =	shalt  }
0x52: {  	_ =	shalt  }
0x53: {  	_ =	shalt  }
0x54: {  	_ =	shalt  }
0x55: {  	_ =	shalt  }
0x56: {  	_ =	shalt  }
0x57: {  	_ =	shalt  }
0x58: {  	_ =	shalt  }
0x59: {  	_ =	shalt  }
0x5a: {  	_ =	shalt  }
0x5b: {  	_ =	shalt  }
0x5c: {  	_ =	shalt  }
0x5d: {  	_ =	shalt  }
0x5e: {  	_ =	shalt  }
0x5f: {  	_ =	shalt  }
0x60: {  	_ =	shalt  }
0x61: {  	_ =	shalt  }
0x62: {  	_ =	shalt  }
0x63: {  	_ =	shalt  }
0x64: {  	_ =	shalt  }
0x65: {  	_ =	shalt  }
0x66: {  	_ =	shalt  }
0x67: {  	_ =	shalt  }
0x68: {  	_ =	shalt  }
0x69: {  	_ =	shalt  }
0x6a: {  	_ =	shalt  }
0x6b: {  	_ =	shalt  }
0x6c: {  	_ =	shalt  }
0x6d: {  	_ =	shalt  }
0x6e: {  	_ =	shalt  }
0x6f: {  	_ =	shalt  }
0x70: {  	_ =	shalt  }
0x71: {  	_ =	shalt  }
0x72: {  	_ =	shalt  }
0x73: {  	_ =	shalt  }
0x74: {  	_ =	shalt  }
0x75: {  	_ =	shalt  }
0x76: {  	_ =	shalt  }
0x77: {  	_ =	shalt  }
0x78: {  	_ =	shalt  }
0x79: {  	_ =	shalt  }
0x7a: {  	_ =	shalt  }
0x7b: {  	_ =	shalt  }
0x7c: {  	_ =	shalt  }
0x7d: {  	_ =	shalt  }
0x7e: {  	_ =	shalt  }
0x7f: {  	_ =	shalt  }
0x80: {  	_ =	shalt  }
0x81: {  	_ =	shalt  }
0x82: {  	_ =	shalt  }
0x83: {  	_ =	shalt  }
0x84: {  	_ =	shalt  }
0x85: {  	_ =	shalt  }
0x86: {  	_ =	shalt  }
0x87: {  	_ =	shalt  }
.Lfunc_end0:
.L_simem_size_0:
called_computation.1_lowered:
.L_overlay_start_0:
0x88: {  	s2 =	sld [smem:$0x3FD9]  }
0x89: {  	s3 =	sld [smem:$0x3FFE];
	_ =	sdelay $0x1  }
0x8a: {  	s1 =	srdreg.scid  }
0x8b: {  	s0 =	sand.u32 $0x1, s1  }
0x8c: {  	s17 =	sshll.u32 s0, $0xA;
	s2 =	sadd.s32 s3, s2  }
0x8d: {  	s2 =	sadd.s32 s2, s17  }
0x8e: {  	[smem:$0x3FC4] =	sst s2  }
0x8f: {  	_ = 	snop  }
0x90: {  	s2 =	sld [smem:$0x3FD0];
	(tm) =	ssettm $0x1  }
0x91: {  	s18 =	sld [smem:$0x3FFB];
	_ =	sdelay $0x3  }
0x92: {  	_ =	strace s18  }
0x93: {  	s3 =	sld [smem:$0x3FFC];
	_ =	sdelay $0x3  }
0x94: {  	_ =	strace s3  }
0x95: {  	s3 =	sld [smem:$0x3FFD];
	_ =	sdelay $0x3  }
0x96: {  	_ =	strace s3  }
0x97: {  	_ =	strace $0x8FFFFFFF  }
0x98: {  	s19 =	sld [smem:$0x3FDB];
	_ =	sdelay $0x1  }
0x99: {  	s4 =	simm.s32 $_scs_section_size  }
0x9a: {  	s5 =	simm.s32 $_size__tile_overlayer_lowered;
	s6 =	simm.s32 $_tile_overlayer_lowered  }
0x9b: {  	s22 =	simm.s32 $0x1BFF;
	s21 =	sshll.u32 s6, $0x1;
	s3 =	sadd.s32 s4, s19  }
0x9c: {  	s7 =	simm.s32 $0x0;
	s20 =	sshll.u32 s5, $0x1;
	s5 =	sadd.s32 s21, s3  }
0x9d: {  	[timem:s7], [sflag:s22] =	dma.local [hbm:s5], s20  }
0x9e: {  	_ =	swait.ge [sflag:s22], s20  }
0x9f: {  	s4 =	ssub.s32 $0x0, s20;
	[sflag:s22] =	ssyncset.done $0x0  }
0xa0: {  	[sflag:s22] =	ssyncadd.s32 s4;
	_ =	sdelay $0x1  }
0xa1: {  	s23 =	simm.s32 $0x1B8B  }
0xa2: {  	_ =	swait.ge [sflag:s23], $0x1  }
0xa3: {  	[sflag:s23] =	ssyncset.done $0x0  }
0xa4: {  	s25 =	simm.s32 $0x1B8E;
	s24 =	sld [smem:$0x3FFE];
	[sflag:s23] =	ssyncadd.s32 $0xFFFFFFFF  }
0xa5: {  	s26 =	simm.s32 $execute0_lowered;
	[smem:$0x3FD2] =	sst s25  }
0xa6: {  	s5 =	sshll.u32 s26, $0x1;
	_ =	strace $0x80000049;
	[dreg:$0x1] =	wrdreg $0xFFFFFFFF  }
0xa7: {  	s28 =	simm.s32 $_size_execute0_lowered;
	s3 =	sadd.s32 s3, s5;
	[dreg:$0x0] =	wrdreg $0x0  }
0xa8: {  	s5 =	sshll.u32 s28, $0x1;
	[dreg:$0x2] =	wrdreg s3  }
0xa9: {  	[dreg:$0x3] =	wrdreg s5  }
0xaa: {  	[dreg:$0x4] =	wrdreg $0xC0  }
0xab: {  	_ =	task [dreg:s7], $0x5FFFF  }
0xac: {  	[dreg:$0x1] =	wrdreg $0xFFFFFFFF  }
0xad: {  	[dreg:$0x0] =	wrdreg $0x60  }
0xae: {  	[dreg:$0x2] =	wrdreg s24  }
0xaf: {  	[dreg:$0x3] =	wrdreg s2  }
0xb0: {  	[dreg:$0x4] =	wrdreg $0x70000  }
0xb1: {  	[dreg:$0x5] =	wrdreg $0xC0000  }
0xb2: {  	[dreg:$0x6] =	wrdreg $0x9  }
0xb3: {  	_ =	task.clear_ibuf [dreg:s7], $0x7FFFF;
	_ =	strace $0x90000049  }
0xb4: {  	s29 =	simm.s32 $0x9;
	_ =	strace $0x8000004B  }
0xb5: {  	_ =	swait.ge [sflag:s29], $0x1  }
0xb6: {  	[sflag:s29] =	ssyncadd.s32 $0xFFFFFFFF  }
0xb7: {  	_ =	strace $0x9000004B  }
0xb8: {  	_ =	sfence  }
0xb9: {  	s30 =	sld [smem:$0x0];
	_ =	sdelay $0x2  }
0xba: {  	s31 =	sshll.u32 s1, $0xD;
	s1 =	sshrl.u32 s1, $0x2  }
0xbb: {  	s3 =	sand.u32 $0x4000, s31;
	s1 =	sadd.s32 s1, s30  }
0xbc: {  	s0 =	sor.u32 s3, s0;
	s1 =	sshll.u32 s1, $0x11  }
0xbd: {  	s0 =	sor.u32 s1, s0  }
0xbe: {  	s0 =	sadd.s32 $0x8F2B, s0  }
0xbf: {  	[sflag:s0] =	ssyncadd.remote.s32 $0x1  }
0xc0: {  	_ =	sfence.sel $0xFFFF  }
0xc1: {  	[dreg:$0x0] =	wrdreg $0xFFFFFFFF;
	(pc) =	sbr.abs _section_cstart, $3  }
0xc2: {  	[dreg:$0x1] =	wrdreg $0xFFFFFFFF  }
0xc3: {  	_ =	task.clear_ibuf [dreg:s7], $0x2FFFF;
	_ =	strace $0x9FFFFFFF  }
0xc4: {  	(tm) =	ssettm $0x7FFFFFFF  }
0xc5: {  	_ =	shalt  }
tec
execute0_lowered:
.L_overlay_start_1:
0x0: {  	(tag) =	ssettag $0x1  }
0x1: {  	s6 =	rddreg [dreg:$0x0]  }
0x2: {  	s7 =	rddreg [dreg:$0x1]  }
0x3: {  	s2 =	rddreg [dreg:$0x2]  }
0x4: {  	s3 =	rddreg [dreg:$0x3]  }
0x5: {  	s0 =	rddreg [dreg:$0x4];
	s4 =	simm.s32 $0x0;
	s1 =	stileid.u32  }
0x6: {  	s5 =	srdreg.scid;
	s16 =	simm.s32 $0x5000;
	s17 =	simm.s32 $0x6000  }
0x7: {  	s18 =	simm.s32 $0x1;
	s19 =	simm.s32 $0x2;
	s20 =	simm.s32 $0x2780  }
0x8: {  	s21 =	simm.s32 $0x4F00;
	s22 =	simm.s32 $0x4F80;
	s8 =	smul.u32 $0x4E00, s1  }
0x9: {  	s5 =	sand.u32 $0x1, s5;
	s9 =	sshll.u32 s1, $0x1;
	[smem:$0x7FF] =	sst s4  }
0xa: {  	s15 =	smul.u32 $0x5000, s1;
	s31 =	sshll.u32 s1, $0x6;
	s9 =	sor.u32 s5, s9  }
0xb: {  	_ =	strace $0x8000004A;
	s11 =	smul.u32 $0xA000, s5;
	s12 =	ssub.s32 $0x2, s5  }
0xc: {  	s5 =	sadd.s32 $0xA800, s6;
	s10 =	sshrl.u32 s8, $0x3;
	s9 =	smul.u32 $0x500, s9  }
0xd: {  	s14 =	sshrl.u32 s12, $0x1;
	s29 =	sadd.s32 s15, s2;
	s30 =	sadd.s32 s8, s3  }
0xe: {  	s24 =	sshrl.u32 s15, $0x3;
	s15 =	simm.s32 $0x80;
	s10 =	sadd.s32 s10, s6  }
0xf: {  	s11 =	sadd.s32 s11, s6;
	s12 =	ssub.s32 s12, s14;
	s14 =	sshrl.u32 s30, $0x3  }
0x10: {  	s13 =	sadd.s32 s9, s6;
	s6 =	sadd.s32 s7, s9;
	s8 =	sadd.s32 $0xA00, s10  }
0x11: {  	s23 =	sadd.s32 $0x32800, s11;
	s9 =	smax.u32 s12, $0x1;
	s10 =	simm.s32 $0x3  }
0x12: {  	s11 =	simm.s32 $0x2800;
	s12 =	sor.u32 $0x1C03, s31;
	s7 =	sadd.s32 $0x28800, s13  }
0x13: {  	s13 =	sshrl.u32 s29, $0x3;
	s23 =	sadd.s32 s24, s23;
	s24 =	simm.s32 $0x0  }
.LBB2_1:
0x14: {  	[tilespmem:s4], [sflag:$0x3] =	stream.linear.gather [hbm4b:s6+s4], $0x2800, $0x38;
	[tilespmem:$0x10E20] =	vst v63  }
0x15: {  	_ =	swait.ge [sflag:s10], $0x2800  }
0x16: {  	[sflag:s10] =	ssyncset.done $0x0  }
0x17: {  	[sflag:s10] =	ssyncadd.s32 $0xFFFFD800  }
0x18: {  	[tilespmem:s11], [sflag:$0x3] =	stream.linear.gather [hbm4b:s7+s4], $0x2800, $0x38;
	[tilespmem:$0x10E20] =	vst v63  }
0x19: {  	_ =	swait.ge [sflag:s10], $0x2800  }
0x1a: {  	[sflag:s10] =	ssyncset.done $0x0  }
0x1b: {  	[sflag:s10] =	ssyncadd.s32 $0xFFFFD800  }
0x1c: {  	[spmem:s13], [sflag:s12] =	dma.local [hbm:s5], $0xA00  }
0x1d: {  	_ =	swait.ge [sflag:s10], $0xA00  }
0x1e: {  	[sflag:s10] =	ssyncset.done $0x0  }
0x1f: {  	[sflag:s10] =	ssyncadd.s32 $0xFFFFF600  }
0x20: {  	[spmem:s14], [sflag:s12] =	dma.local [hbm:s8], $0xA00  }
0x21: {  	_ =	swait.ge [sflag:s10], $0xA00  }
0x22: {  	[sflag:s10] =	ssyncset.done $0x0  }
0x23: {  	[sflag:s10] =	ssyncadd.s32 $0xFFFFF600  }
0x24: {  	[bflag:$0x0] =	sbarrier.arrive $0xFFFF  }
0x25: {  	[tilespmem:s16], [sflag:$0x1] =	stream.indirect.gather [spmem:s3], $0x20, s4, s15, $0xb8;
	[tilespmem:$0x10E20] =	vst v63  }
0x26: {  	s25 =	simm.s32 $0x80  }
0x27: {  	[tilespmem:s17], [sflag:$0x2] =	stream.indirect.gather [spmem:s3], $0x20, s25, s15, $0xb8;
	[tilespmem:$0x10E20] =	vst v63  }
0x28: {  	_ =	swait.ge [sflag:s18], $0x1000  }
0x29: {  	[sflag:s18] =	ssyncset.done $0x0  }
0x2a: {  	s29 =	simm.s32 $0x2800;
	[sflag:s18] =	ssyncadd.s32 $0xFFFFF000  }
0x2b: {  	[spmem:s2] =	stream.indirect.scatter.add.s32 [tilespmem:s16], [sflag:$0x3], $0x20, s29, s15, $0xb8;
	[tilespmem:$0x10E20] =	vst v63  }
0x2c: {  	_ =	swait.ge [sflag:s10], $0x1000  }
0x2d: {  	[sflag:s10] =	ssyncset.done $0x0  }
0x2e: {  	s30 =	simm.s32 $0x100;
	[sflag:s10] =	ssyncadd.s32 $0xFFFFF000  }
0x2f: {  	[tilespmem:s16], [sflag:$0x1] =	stream.indirect.gather [spmem:s3], $0x20, s30, s15, $0xb8;
	[tilespmem:$0x10E20] =	vst v63  }
0x30: {  	_ =	swait.ge [sflag:s19], $0x1000  }
0x31: {  	[sflag:s19] =	ssyncset.done $0x0  }
0x32: {  	s31 =	simm.s32 $0x2880;
	[sflag:s19] =	ssyncadd.s32 $0xFFFFF000  }
0x33: {  	[spmem:s2] =	stream.indirect.scatter.add.s32 [tilespmem:s17], [sflag:$0x3], $0x20, s31, s15, $0xb8;
	[tilespmem:$0x10E20] =	vst v63  }
0x34: {  	_ =	swait.ge [sflag:s10], $0x1000  }
0x35: {  	s26 =	simm.s32 $0x800;
	s25 =	simm.s32 $0x100;
	[sflag:s10] =	ssyncset.done $0x0  }
.LBB2_2:
0x36: {  	s28 =	sadd.s32 $0x80, s25  }
0x37: {  	[sflag:s10] =	ssyncadd.s32 $0xFFFFF000;
	s29 =	smov.u32 s26;
	s30 =	sadd.s32 $0x400, s26  }
0x38: {  	[tilespmem:s17], [sflag:$0x2] =	stream.indirect.gather [spmem:s3], $0x20, s28, s15, $0xb8;
	[tilespmem:$0x10E20] =	vst v63  }
0x39: {  	p0 =	sne.s32 s26, $0x9800;
	_ =	swait.ge [sflag:s18], $0x1000  }
0x3a: {  	[sflag:s18] =	ssyncset.done $0x0  }
0x3b: {  	s26 =	sadd.s32 $0x2800, s25;
	[sflag:s18] =	ssyncadd.s32 $0xFFFFF000  }
0x3c: {  	[spmem:s2] =	stream.indirect.scatter.add.s32 [tilespmem:s16], [sflag:$0x3], $0x20, s26, s15, $0xb8;
	[tilespmem:$0x10E20] =	vst v63  }
0x3d: {  	_ =	swait.ge [sflag:s10], $0x1000  }
0x3e: {  	[sflag:s10] =	ssyncset.done $0x0  }
0x3f: {  	s26 =	sadd.s32 $0x100, s25;
	[sflag:s10] =	ssyncadd.s32 $0xFFFFF000  }
0x40: {  	[tilespmem:s16], [sflag:$0x1] =	stream.indirect.gather [spmem:s3], $0x20, s26, s15, $0xb8;
	[tilespmem:$0x10E20] =	vst v63  }
0x41: {  	_ =	swait.ge [sflag:s19], $0x1000  }
.Ltmp0:
0x42: {  	[sflag:s19] =	ssyncset.done $0x0;
	(pc) =	sbr.rel @p0 .LBB2_2-.Ltmp0, $4  }
0x43: {  	s25 =	sadd.s32 $0x2880, s25;
	[sflag:s19] =	ssyncadd.s32 $0xFFFFF000  }
0x44: {  	[spmem:s2] =	stream.indirect.scatter.add.s32 [tilespmem:s17], [sflag:$0x3], $0x20, s25, s15, $0xb8;
	[tilespmem:$0x10E20] =	vst v63  }
0x45: {  	_ =	swait.ge [sflag:s10], $0x1000  }
0x46: {  	s26 =	smov.u32 s30;
	s25 =	sshra.s32 s29, $0x2;
	[sflag:s10] =	ssyncset.done $0x0  }
0x47: {  	s26 =	sadd.s32 $0x80, s25;
	[sflag:s10] =	ssyncadd.s32 $0xFFFFF000  }
0x48: {  	[tilespmem:s17], [sflag:$0x2] =	stream.indirect.gather [spmem:s3], $0x20, s26, s15, $0xb8;
	[tilespmem:$0x10E20] =	vst v63  }
0x49: {  	_ =	swait.ge [sflag:s18], $0x1000  }
0x4a: {  	[sflag:s18] =	ssyncset.done $0x0  }
0x4b: {  	s29 =	sadd.s32 $0x2800, s25;
	[sflag:s18] =	ssyncadd.s32 $0xFFFFF000  }
0x4c: {  	[spmem:s2] =	stream.indirect.scatter.add.s32 [tilespmem:s16], [sflag:$0x3], $0x20, s29, s15, $0xb8;
	[tilespmem:$0x10E20] =	vst v63  }
0x4d: {  	_ =	swait.ge [sflag:s10], $0x1000  }
0x4e: {  	[sflag:s10] =	ssyncset.done $0x0  }
0x4f: {  	s30 =	sadd.s32 $0x100, s25;
	[sflag:s10] =	ssyncadd.s32 $0xFFFFF000  }
0x50: {  	[tilespmem:s16], [sflag:$0x1] =	stream.indirect.gather [spmem:s3], $0x20, s30, s15, $0xb8;
	[tilespmem:$0x10E20] =	vst v63  }
0x51: {  	_ =	swait.ge [sflag:s19], $0x1000  }
0x52: {  	[sflag:s19] =	ssyncset.done $0x0  }
0x53: {  	s31 =	sadd.s32 $0x2880, s25;
	[sflag:s19] =	ssyncadd.s32 $0xFFFFF000  }
0x54: {  	[spmem:s2] =	stream.indirect.scatter.add.s32 [tilespmem:s17], [sflag:$0x3], $0x20, s31, s15, $0xb8;
	[tilespmem:$0x10E20] =	vst v63  }
0x55: {  	_ =	swait.ge [sflag:s10], $0x1000  }
0x56: {  	[sflag:s10] =	ssyncset.done $0x0  }
0x57: {  	[sflag:s10] =	ssyncadd.s32 $0xFFFFF000  }
0x58: {  	[tilespmem:s17], [sflag:$0x2] =	stream.indirect.gather [spmem:s3], $0x20, s20, s15, $0xb8;
	[tilespmem:$0x10E20] =	vst v63  }
0x59: {  	_ =	swait.ge [sflag:s18], $0x1000  }
0x5a: {  	[sflag:s18] =	ssyncset.done $0x0  }
0x5b: {  	[sflag:s18] =	ssyncadd.s32 $0xFFFFF000  }
0x5c: {  	[spmem:s2] =	stream.indirect.scatter.add.s32 [tilespmem:s16], [sflag:$0x3], $0x20, s21, s15, $0xb8;
	[tilespmem:$0x10E20] =	vst v63  }
0x5d: {  	_ =	swait.ge [sflag:s10], $0x1000  }
0x5e: {  	[sflag:s10] =	ssyncset.done $0x0  }
0x5f: {  	[sflag:s10] =	ssyncadd.s32 $0xFFFFF000  }
0x60: {  	_ =	swait.ge [sflag:s19], $0x1000  }
0x61: {  	[sflag:s19] =	ssyncset.done $0x0  }
0x62: {  	[sflag:s19] =	ssyncadd.s32 $0xFFFFF000  }
0x63: {  	[spmem:s2] =	stream.indirect.scatter.add.s32 [tilespmem:s17], [sflag:$0x3], $0x20, s22, s15, $0xb8;
	[tilespmem:$0x10E20] =	vst v63  }
0x64: {  	_ =	swait.ge [sflag:s10], $0x1000  }
0x65: {  	s24 =	sadd.s32 $0x1, s24;
	[sflag:s10] =	ssyncset.done $0x0  }
0x66: {  	p0 =	sne.s32 s24, s9;
	[sflag:s10] =	ssyncadd.s32 $0xFFFFF000  }
.Ltmp1:
0x67: {  	[bflag:$0x0] =	sbarrier.arrive $0xFFFF;
	(pc) =	sbr.rel @p0 .LBB2_1-.Ltmp1, $4  }
0x68: {  	[hbm:s23], [sflag:s12] =	dma.local [spmem:s13], $0xA00  }
0x69: {  	_ =	swait.ge [sflag:s10], $0xA00  }
0x6a: {  	[sflag:s10] =	ssyncset.done $0x0  }
0x6b: {  	[sflag:s10] =	ssyncadd.s32 $0xFFFFF600  }
0x6c: {  	_ =	sfence.sel $0x180000  }
0x6d: {  	[bflag:$0x0] =	sbarrier.arrive $0xFFFF  }
0x6e: {  	p0 =	sne.s32 s1, $0x0;
	_ =	strace $0x9000004A  }
0x6f: {  	s0 =	sadd.s32 @!p0 $0x100000, s0;
	[bflag:$0x2] =	sbarrier.arrive $0xFFFF  }
0x70: {  	[sflag:s0] =	ssyncadd.tile.s32 @!p0 $0x1;
	_ =	shalt  }
.Lfunc_end2:
_tile_overlayer_lowered:
.L_overlay_start_2:
0x71: {  	(tag) =	ssettag $0x2  }
0x72: {  	s0 =	rddreg [dreg:$0x0];
	s2 =	stileid.u32  }
0x73: {  	s1 =	rddreg [dreg:$0x1];
	p0 =	sne.s32 s2, $0x0  }
0x74: {  	s3 =	rddreg [dreg:$0x2];
	[bflag:$0x3] =	sbarrier.arrive $0xFFFF;
	s2 =	simm.s32 @!p0 $0x1C03  }
0x75: {  	[timem:s3], [sflag:s2] =	dma.local @!p0 [hbm:s0], s1  }
0x76: {  	s0 =	simm.s32 @!p0 $0x3  }
0x77: {  	_ =	swait.ge @!p0 [sflag:s0], s1  }
0x78: {  	s1 =	ssub.s32 @!p0 $0x0, s1;
	[sflag:s0] =	ssyncset.done @!p0 $0x0  }
0x79: {  	[sflag:s0] =	ssyncadd.s32 @!p0 s1  }
0x7a: {  	[bflag:$0x3] =	sbarrier.arrive $0xFFFF  }
0x7b: {  	_ =	shalt  }

</sc_bundles>
